<compile_context>
chip_gen: v7x
topology: tpu7x:2x2x1
jax: 0.10.2.dev20260603
libtpu: 0.0.44.dev20260713+nightly
codegen_flags: <defaults>
</compile_context>

<pallas_src>
import jax
import jax.numpy as jnp
from jax import lax
from jax.experimental import pallas as pl
from jax.experimental.pallas import tpu as pltpu
from jax.experimental.pallas import tpu_sc as plsc

N_ROWS = 320000
D = 128
N_SEG = 10000
N_SEG_PAD = 10240
NC = 2
NS = 16
NW = NC * NS
ROWS_PER_TILE = N_ROWS // NW
CHUNK = 80
N_CHUNKS = ROWS_PER_TILE // CHUNK
SEG_PER_TILE = N_SEG_PAD // NS


def _sums_body(y_hbm, idx_hbm, zero_hbm, sums_hbm,
               idx_all, rows_v, acc_s, sem_r0, sem_r1):
    c = lax.axis_index("c")
    s = lax.axis_index("s")
    wid = c * NS + s
    row_base = wid * ROWS_PER_TILE
    sem_r = (sem_r0, sem_r1)

    def issue(j, b):
        pltpu.async_copy(y_hbm.at[pl.ds(row_base + j * CHUNK, CHUNK)],
                         rows_v.at[b], sem_r[b])

    def wait(j, b):
        pltpu.make_async_copy(
            y_hbm.at[pl.ds(row_base + j * CHUNK, CHUNK)],
            rows_v.at[b], sem_r[b]).wait()

    pltpu.async_copy(idx_hbm.at[wid], idx_all, sem_r0)
    issue(0, 1)
    zbase = s * SEG_PER_TILE
    pltpu.sync_copy(zero_hbm.at[pl.ds(zbase, SEG_PER_TILE)],
                    acc_s.at[pl.ds(zbase, SEG_PER_TILE)])
    pltpu.make_async_copy(idx_hbm.at[wid], idx_all, sem_r0).wait()
    plsc.subcore_barrier()

    issue(1, 0)
    def pair_body(p, _):
        j0 = 2 * p
        wait(j0, 1)
        pltpu.sync_copy(rows_v.at[1], acc_s.at[idx_all.at[j0]], add=True)
        issue(j0 + 2, 1)
        wait(j0 + 1, 0)
        pltpu.sync_copy(rows_v.at[0], acc_s.at[idx_all.at[j0 + 1]], add=True)
        @pl.when(j0 + 3 < N_CHUNKS)
        def _():
            issue(j0 + 3, 0)
        return 0
    lax.fori_loop(0, (N_CHUNKS - 1) // 2, pair_body, 0)
    wait(N_CHUNKS - 1, 1)
    pltpu.sync_copy(rows_v.at[1], acc_s.at[idx_all.at[N_CHUNKS - 1]],
                    add=True)
    plsc.subcore_barrier()

    pltpu.sync_copy(acc_s.at[pl.ds(zbase, SEG_PER_TILE)],
                    sums_hbm.at[c, pl.ds(zbase, SEG_PER_TILE)])


_sc_sums = pl.kernel(
    _sums_body,
    out_type=jax.ShapeDtypeStruct((NC, N_SEG_PAD, D), jnp.float32),
    mesh=plsc.VectorSubcoreMesh(
        core_axis_name="c", subcore_axis_name="s",
        num_cores=NC, num_subcores=NS),
    compiler_params=pltpu.CompilerParams(needs_layout_passes=False),
    scratch_types=[
        pltpu.VMEM((N_CHUNKS, CHUNK), jnp.int32),
        pltpu.VMEM((2, CHUNK, D), jnp.float32),
        pltpu.VMEM_SHARED((N_SEG_PAD, D), jnp.float32),
        pltpu.SemaphoreType.DMA,
        pltpu.SemaphoreType.DMA,
    ],
)


def _counts_body(idx_hbm, zcnt_hbm, cnts_hbm, idx_all, cnt_v):
    c = lax.axis_index("c")
    s = lax.axis_index("s")
    wid = c * NS + s
    pltpu.sync_copy(zcnt_hbm, cnt_v)
    pltpu.sync_copy(idx_hbm.at[wid], idx_all)

    def vec_body(i, _):
        v = idx_all[i // (CHUNK // 16), pl.ds((i % (CHUNK // 16)) * 16, 16)]
        run, last = plsc.scan_count(v)
        plsc.addupdate_scatter(
            cnt_v, [v], run.astype(jnp.float32), mask=last)
        return 0
    lax.fori_loop(0, ROWS_PER_TILE // 16, vec_body, 0)
    pltpu.sync_copy(cnt_v, cnts_hbm.at[wid])


_sc_counts = pl.kernel(
    _counts_body,
    out_type=jax.ShapeDtypeStruct((NW, N_SEG_PAD), jnp.float32),
    mesh=plsc.VectorSubcoreMesh(
        core_axis_name="c", subcore_axis_name="s",
        num_cores=NC, num_subcores=NS),
    compiler_params=pltpu.CompilerParams(needs_layout_passes=False),
    scratch_types=[
        pltpu.VMEM((N_CHUNKS, CHUNK), jnp.int32),
        pltpu.VMEM((N_SEG_PAD,), jnp.float32),
    ],
)


def _combine_body(s_ref, c_ref, o_ref):
    tot = s_ref[0] + s_ref[1]
    cnt = jnp.sum(c_ref[...], axis=1, keepdims=True)
    o_ref[...] = tot * (1.0 / jnp.maximum(cnt, 1.0))


_COMBINE_B = 2048


def _combine(sums, cnts_t):
    grid = pl.cdiv(N_SEG, _COMBINE_B)
    return pl.pallas_call(
        _combine_body,
        grid=(grid,),
        in_specs=[
            pl.BlockSpec((NC, _COMBINE_B, D), lambda i: (0, i, 0)),
            pl.BlockSpec((_COMBINE_B, NW), lambda i: (i, 0)),
        ],
        out_specs=pl.BlockSpec((_COMBINE_B, D), lambda i: (i, 0)),
        out_shape=jax.ShapeDtypeStruct((N_SEG, D), jnp.float32),
    )(sums, cnts_t)


@jax.jit
def kernel(y, idx):
    idx3 = idx.astype(jnp.int32).reshape(NW, N_CHUNKS, CHUNK)
    zero = jnp.zeros((N_SEG_PAD, D), jnp.float32)
    zcnt = jnp.zeros((N_SEG_PAD,), jnp.float32)
    sums = _sc_sums(y, idx3, zero)
    cnts = _sc_counts(idx3, zcnt)
    return _combine(sums, cnts.T)

# --- scband reference (transcript-rebuilt; emitter-appended) ---
"""Pipeline reference for scband-scatter-wrapper-33019708572041 (READ-ONLY COPY).

The authoritative reference and input builder live on the scoring server;
editing this copy changes nothing except your own understanding.
"""

import jax, jax.numpy as jnp
import numpy as np

NUM_SEGMENTS = 10000

def setup_inputs(seed: int = 0) -> dict:
    key = jax.random.key(seed)
    k1, k2 = jax.random.split(key)
    y = jax.random.normal(k1, (320000, 128), dtype=jnp.float32)
    idx = jnp.sort(jax.random.randint(k2, (320000,), 0, NUM_SEGMENTS, dtype=jnp.int64))
    return {"y": y, "idx": idx}

def reference(y, idx):
    # torch_scatter.scatter(y, idx, dim=0, reduce='mean'):
    # segment sum divided by per-segment count (clamped to >= 1)
    sums = jax.ops.segment_sum(y, idx, num_segments=NUM_SEGMENTS)
    counts = jax.ops.segment_sum(jnp.ones((y.shape[0],), dtype=y.dtype), idx, num_segments=NUM_SEGMENTS)
    counts = jnp.clip(counts, 1.0, None)
    z = sums / counts[:, None]
    return z

if __name__ == "__main__":
    import jax
    _d = setup_inputs()
    print(jax.jit(kernel)(*tuple(_d.values())))

</pallas_src>

<mosaic_0001>
#map = affine_map<(d0, d1) -> (0, 0, 0)>
#map1 = affine_map<(d0, d1) -> (0)>
#map2 = affine_map<(d0, d1) -> (0, 0)>
module attributes {stable_mosaic.version = 14 : i64} {
  func.func @_counts_body(%arg0: i32, %arg1: i32, %arg2: memref<32x125x80xi32, #tpu.memory_space<hbm>>, %arg3: memref<10240xf32, #tpu.memory_space<hbm>>, %arg4: memref<32x10240xf32, #tpu.memory_space<hbm>>, %arg5: memref<125x80xi32, #tpu.memory_space<vmem>>, %arg6: memref<10240xf32, #tpu.memory_space<vmem>>) attributes {dimension_semantics = [#tpu.dimension_semantics<core_parallel>, #tpu.dimension_semantics<subcore_parallel>], iteration_bounds = array<i64: 2, 16>, scalar_prefetch = 0 : i64, scratch_operands = 2 : i64, tpu.core_type = #tpu.core_type<sc_vector_subcore>, window_params = [{transform_indices = #map}, {transform_indices = #map1}, {transform_indices = #map2}]} {
    %mul3A = arith.constant 16 : i32
    %mul3A_0 = arith.muli %arg0, %mul3A : i32
    %add3A = arith.addi %mul3A_0, %arg1 : i32
    "tpu.region"() ({
      %run_scoped3A = tpu.sem_alloc : memref<!tpu.dma_semaphore, #tpu.memory_space<semaphore_mem>>
      tpu.enqueue_dma source(%arg3 : memref<10240xf32, #tpu.memory_space<hbm>>) target(%arg6 : memref<10240xf32, #tpu.memory_space<vmem>>) target_semaphore(%run_scoped3A : memref<!tpu.dma_semaphore, #tpu.memory_space<semaphore_mem>>)
      tpu.wait_dma2 semaphore(%run_scoped3A : memref<!tpu.dma_semaphore, #tpu.memory_space<semaphore_mem>>) src(%arg3 : memref<10240xf32, #tpu.memory_space<hbm>>) dst(%arg6 : memref<10240xf32, #tpu.memory_space<vmem>>)
      tpu.yield
    }) : () -> ()
    "tpu.region"() ({
      %run_scoped3A = tpu.sem_alloc : memref<!tpu.dma_semaphore, #tpu.memory_space<semaphore_mem>>
      %dma_start3A = arith.constant 0 : i32
      %dma_start3A_7 = arith.constant 0 : i32
      %dma_start3A_8 = tpu.memref_slice %arg2[%add3A, %dma_start3A, %dma_start3A_7] : memref<32x125x80xi32, #tpu.memory_space<hbm>> -> memref<1x125x80xi32, #tpu.memory_space<hbm>>
      %dma_start3A_9 = tpu.memref_squeeze %dma_start3A_8 : memref<1x125x80xi32, #tpu.memory_space<hbm>> -> memref<125x80xi32, #tpu.memory_space<hbm>>
      %dma_start3A_10 = arith.constant 0 : i32
      %dma_start3A_11 = arith.constant 0 : i32
      %dma_start3A_12 = tpu.memref_slice %arg2[%add3A, %dma_start3A_10, %dma_start3A_11] : memref<32x125x80xi32, #tpu.memory_space<hbm>> -> memref<1x125x80xi32, #tpu.memory_space<hbm>>
      %dma_start3A_13 = tpu.memref_squeeze %dma_start3A_12 : memref<1x125x80xi32, #tpu.memory_space<hbm>> -> memref<125x80xi32, #tpu.memory_space<hbm>>
      tpu.enqueue_dma source(%dma_start3A_13 : memref<125x80xi32, #tpu.memory_space<hbm>>) target(%arg5 : memref<125x80xi32, #tpu.memory_space<vmem>>) target_semaphore(%run_scoped3A : memref<!tpu.dma_semaphore, #tpu.memory_space<semaphore_mem>>)
      %dma_wait3A = arith.constant 0 : i32
      %dma_wait3A_14 = arith.constant 0 : i32
      %dma_wait3A_15 = tpu.memref_slice %arg2[%add3A, %dma_wait3A, %dma_wait3A_14] : memref<32x125x80xi32, #tpu.memory_space<hbm>> -> memref<1x125x80xi32, #tpu.memory_space<hbm>>
      %dma_wait3A_16 = tpu.memref_squeeze %dma_wait3A_15 : memref<1x125x80xi32, #tpu.memory_space<hbm>> -> memref<125x80xi32, #tpu.memory_space<hbm>>
      %dma_wait3A_17 = arith.constant 0 : i32
      %dma_wait3A_18 = arith.constant 0 : i32
      %dma_wait3A_19 = tpu.memref_slice %arg2[%add3A, %dma_wait3A_17, %dma_wait3A_18] : memref<32x125x80xi32, #tpu.memory_space<hbm>> -> memref<1x125x80xi32, #tpu.memory_space<hbm>>
      %dma_wait3A_20 = tpu.memref_squeeze %dma_wait3A_19 : memref<1x125x80xi32, #tpu.memory_space<hbm>> -> memref<125x80xi32, #tpu.memory_space<hbm>>
      tpu.wait_dma2 semaphore(%run_scoped3A : memref<!tpu.dma_semaphore, #tpu.memory_space<semaphore_mem>>) src(%dma_wait3A_20 : memref<125x80xi32, #tpu.memory_space<hbm>>) dst(%arg5 : memref<125x80xi32, #tpu.memory_space<vmem>>)
      tpu.yield
    }) : () -> ()
    %scan3A = arith.constant 0 : i32
    %scan3A_1 = arith.constant 0 : i32
    %scan3A_2 = arith.constant 625 : i32
    %scan3A_3 = arith.addi %scan3A_1, %scan3A_2 : i32
    %scan3A_4 = arith.constant 1 : i32
    %scan3A_5 = scf.for %scan3A_7 = %scan3A_1 to %scan3A_3 step %scan3A_4 iter_args(%scan3A_8 = %scan3A) -> (i32)  : i32 {
      %jit3A = arith.constant 5 : i32
      %div3A = arith.divsi %scan3A_7, %jit3A : i32
      %sign3A = arith.constant 0 : i32
      %sign3A_9 = arith.cmpi sgt, %scan3A_7, %sign3A : i32
      %sign3A_10 = arith.extui %sign3A_9 : i1 to i32
      %sign3A_11 = arith.constant 0 : i32
      %sign3A_12 = arith.cmpi slt, %scan3A_7, %sign3A_11 : i32
      %sign3A_13 = arith.extui %sign3A_12 : i1 to i32
      %sign3A_14 = arith.subi %sign3A_10, %sign3A_13 : i32
      %sign3A_15 = arith.constant 0 : i32
      %sign3A_16 = arith.cmpi sgt, %jit3A, %sign3A_15 : i32
      %sign3A_17 = arith.extui %sign3A_16 : i1 to i32
      %sign3A_18 = arith.constant 0 : i32
      %sign3A_19 = arith.cmpi slt, %jit3A, %sign3A_18 : i32
      %sign3A_20 = arith.extui %sign3A_19 : i1 to i32
      %sign3A_21 = arith.subi %sign3A_17, %sign3A_20 : i32
      %ne3A = arith.cmpi ne, %sign3A_14, %sign3A_21 : i32
      %rem3A = arith.remsi %scan3A_7, %jit3A : i32
      %ne3A_22 = arith.constant 0 : i32
      %ne3A_23 = arith.cmpi ne, %rem3A, %ne3A_22 : i32
      %and3A = arith.andi %ne3A, %ne3A_23 : i1
      %sub3A = arith.constant 1 : i32
      %sub3A_24 = arith.subi %div3A, %sub3A : i32
      %select_n3A = arith.select %and3A, %sub3A_24, %div3A : i32
      %jit3A_25 = arith.constant 5 : i32
      %eq3A = arith.constant 0 : i32
      %eq3A_26 = arith.cmpi eq, %jit3A_25, %eq3A : i32
      %jit3A_27 = arith.constant 1 : i32
      %select_n3A_28 = arith.select %eq3A_26, %jit3A_27, %jit3A_25 : i32
      %rem3A_29 = arith.remsi %scan3A_7, %select_n3A_28 : i32
      %ne3A_30 = arith.constant 0 : i32
      %ne3A_31 = arith.cmpi ne, %rem3A_29, %ne3A_30 : i32
      %lt3A = arith.constant 0 : i32
      %lt3A_32 = arith.cmpi slt, %rem3A_29, %lt3A : i32
      %lt3A_33 = arith.constant 0 : i32
      %lt3A_34 = arith.cmpi slt, %select_n3A_28, %lt3A_33 : i32
      %ne3A_35 = arith.xori %lt3A_32, %lt3A_34 : i1
      %and3A_36 = arith.andi %ne3A_35, %ne3A_31 : i1
      %add3A_37 = arith.addi %rem3A_29, %select_n3A_28 : i32
      %select_n3A_38 = arith.select %and3A_36, %add3A_37, %rem3A_29 : i32
      %mul3A_39 = arith.constant 16 : i32
      %mul3A_40 = arith.muli %select_n3A_38, %mul3A_39 : i32
      %get3A = arith.index_cast %select_n3A : i32 to index
      %get3A_41 = arith.index_cast %mul3A_40 : i32 to index
      %get3A_42 = tpu.vector_load %arg5[%get3A, %get3A_41] {strides = array<i32>} : memref<125x80xi32, #tpu.memory_space<vmem>>, vector<16xi32>,
      %broadcast_in_dim3A = arith.constant true
      %broadcast_in_dim3A_43 = vector.broadcast %broadcast_in_dim3A : i1 to vector<16xi1>
      %unique3A, %unique3A_44 = tpu.scan_count mask(%broadcast_in_dim3A_43 : vector<16xi1>) value(%get3A_42 : vector<16xi32>) : vector<16xi1>, vector<16xi32>
      %convert_element_type3A = arith.sitofp %unique3A_44 : vector<16xi32> to vector<16xf32>
      tpu.vector_store_idx %arg6[%get3A_42], %convert_element_type3A masked %unique3A {add = true} : memref<10240xf32, #tpu.memory_space<vmem>>[vector<16xi32>], vector<16xf32>, vector<16xi1>
      %scan3A_45 = arith.constant 0 : i32
      scf.yield %scan3A_45 : i32
    }
    %scan3A_6 = arith.constant 625 : i32
    "tpu.region"() ({
      %run_scoped3A = tpu.sem_alloc : memref<!tpu.dma_semaphore, #tpu.memory_space<semaphore_mem>>
      %dma_start3A = arith.constant 0 : i32
      %dma_start3A_7 = tpu.memref_slice %arg4[%add3A, %dma_start3A] : memref<32x10240xf32, #tpu.memory_space<hbm>> -> memref<1x10240xf32, #tpu.memory_space<hbm>>
      %dma_start3A_8 = tpu.memref_squeeze %dma_start3A_7 : memref<1x10240xf32, #tpu.memory_space<hbm>> -> memref<10240xf32, #tpu.memory_space<hbm>>
      %dma_start3A_9 = arith.constant 0 : i32
      %dma_start3A_10 = tpu.memref_slice %arg4[%add3A, %dma_start3A_9] : memref<32x10240xf32, #tpu.memory_space<hbm>> -> memref<1x10240xf32, #tpu.memory_space<hbm>>
      %dma_start3A_11 = tpu.memref_squeeze %dma_start3A_10 : memref<1x10240xf32, #tpu.memory_space<hbm>> -> memref<10240xf32, #tpu.memory_space<hbm>>
      tpu.enqueue_dma source(%arg6 : memref<10240xf32, #tpu.memory_space<vmem>>) target(%dma_start3A_11 : memref<10240xf32, #tpu.memory_space<hbm>>) target_semaphore(%run_scoped3A : memref<!tpu.dma_semaphore, #tpu.memory_space<semaphore_mem>>)
      %dma_wait3A = arith.constant 0 : i32
      %dma_wait3A_12 = tpu.memref_slice %arg4[%add3A, %dma_wait3A] : memref<32x10240xf32, #tpu.memory_space<hbm>> -> memref<1x10240xf32, #tpu.memory_space<hbm>>
      %dma_wait3A_13 = tpu.memref_squeeze %dma_wait3A_12 : memref<1x10240xf32, #tpu.memory_space<hbm>> -> memref<10240xf32, #tpu.memory_space<hbm>>
      %dma_wait3A_14 = arith.constant 0 : i32
      %dma_wait3A_15 = tpu.memref_slice %arg4[%add3A, %dma_wait3A_14] : memref<32x10240xf32, #tpu.memory_space<hbm>> -> memref<1x10240xf32, #tpu.memory_space<hbm>>
      %dma_wait3A_16 = tpu.memref_squeeze %dma_wait3A_15 : memref<1x10240xf32, #tpu.memory_space<hbm>> -> memref<10240xf32, #tpu.memory_space<hbm>>
      tpu.wait_dma2 semaphore(%run_scoped3A : memref<!tpu.dma_semaphore, #tpu.memory_space<semaphore_mem>>) src(%arg6 : memref<10240xf32, #tpu.memory_space<vmem>>) dst(%dma_wait3A_16 : memref<10240xf32, #tpu.memory_space<hbm>>)
      tpu.yield
    }) : () -> ()
    return
  }
}

#map = affine_map<(d0, d1) -> (0, 0)>
#map1 = affine_map<(d0, d1) -> (0, 0, 0)>
module attributes {stable_mosaic.version = 14 : i64} {
  func.func @_sums_body(%arg0: i32, %arg1: i32, %arg2: memref<320000x128xf32, #tpu.memory_space<hbm>>, %arg3: memref<32x125x80xi32, #tpu.memory_space<hbm>>, %arg4: memref<10240x128xf32, #tpu.memory_space<hbm>>, %arg5: memref<2x10240x128xf32, #tpu.memory_space<hbm>>, %arg6: memref<125x80xi32, #tpu.memory_space<vmem>>, %arg7: memref<2x80x128xf32, #tpu.memory_space<vmem>>, %arg8: memref<10240x128xf32, #tpu.memory_space<vmem_shared>>, %arg9: memref<!tpu.dma_semaphore, #tpu.memory_space<semaphore_mem>>, %arg10: memref<!tpu.dma_semaphore, #tpu.memory_space<semaphore_mem>>) attributes {dimension_semantics = [#tpu.dimension_semantics<core_parallel>, #tpu.dimension_semantics<subcore_parallel>], iteration_bounds = array<i64: 2, 16>, scalar_prefetch = 0 : i64, scratch_operands = 5 : i64, tpu.core_type = #tpu.core_type<sc_vector_subcore>, window_params = [{transform_indices = #map}, {transform_indices = #map1}, {transform_indices = #map}, {transform_indices = #map1}]} {
    %mul3A = arith.constant 16 : i32
    %mul3A_0 = arith.muli %arg0, %mul3A : i32
    %add3A = arith.addi %mul3A_0, %arg1 : i32
    %mul3A_1 = arith.constant 10000 : i32
    %mul3A_2 = arith.muli %add3A, %mul3A_1 : i32
    %dma_start3A = arith.constant 0 : i32
    %dma_start3A_3 = arith.constant 0 : i32
    %dma_start3A_4 = tpu.memref_slice %arg3[%add3A, %dma_start3A, %dma_start3A_3] : memref<32x125x80xi32, #tpu.memory_space<hbm>> -> memref<1x125x80xi32, #tpu.memory_space<hbm>>
    %dma_start3A_5 = tpu.memref_squeeze %dma_start3A_4 : memref<1x125x80xi32, #tpu.memory_space<hbm>> -> memref<125x80xi32, #tpu.memory_space<hbm>>
    %dma_start3A_6 = arith.constant 0 : i32
    %dma_start3A_7 = arith.constant 0 : i32
    %dma_start3A_8 = tpu.memref_slice %arg3[%add3A, %dma_start3A_6, %dma_start3A_7] : memref<32x125x80xi32, #tpu.memory_space<hbm>> -> memref<1x125x80xi32, #tpu.memory_space<hbm>>
    %dma_start3A_9 = tpu.memref_squeeze %dma_start3A_8 : memref<1x125x80xi32, #tpu.memory_space<hbm>> -> memref<125x80xi32, #tpu.memory_space<hbm>>
    tpu.enqueue_dma source(%dma_start3A_9 : memref<125x80xi32, #tpu.memory_space<hbm>>) target(%arg6 : memref<125x80xi32, #tpu.memory_space<vmem>>) target_semaphore(%arg9 : memref<!tpu.dma_semaphore, #tpu.memory_space<semaphore_mem>>)
    %add3A_10 = arith.constant 0 : i32
    %add3A_11 = arith.addi %mul3A_2, %add3A_10 : i32
    %dma_start3A_12 = arith.constant 1 : i32
    %dma_start3A_13 = arith.constant 0 : i32
    %dma_start3A_14 = arith.constant 0 : i32
    %dma_start3A_15 = tpu.memref_slice %arg7[%dma_start3A_12, %dma_start3A_13, %dma_start3A_14] : memref<2x80x128xf32, #tpu.memory_space<vmem>> -> memref<1x80x128xf32, #tpu.memory_space<vmem>>
    %dma_start3A_16 = tpu.memref_squeeze %dma_start3A_15 : memref<1x80x128xf32, #tpu.memory_space<vmem>> -> memref<80x128xf32, #tpu.memory_space<vmem>>
    %dma_start3A_17 = arith.constant 0 : i32
    %dma_start3A_18 = tpu.memref_slice %arg2[%add3A_11, %dma_start3A_17] : memref<320000x128xf32, #tpu.memory_space<hbm>> -> memref<80x128xf32, #tpu.memory_space<hbm>>
    %dma_start3A_19 = arith.constant 0 : i32
    %dma_start3A_20 = arith.constant 0 : i32
    %dma_start3A_21 = tpu.memref_slice %arg7[%dma_start3A_12, %dma_start3A_19, %dma_start3A_20] : memref<2x80x128xf32, #tpu.memory_space<vmem>> -> memref<1x80x128xf32, #tpu.memory_space<vmem>>
    %dma_start3A_22 = tpu.memref_squeeze %dma_start3A_21 : memref<1x80x128xf32, #tpu.memory_space<vmem>> -> memref<80x128xf32, #tpu.memory_space<vmem>>
    %dma_start3A_23 = arith.constant 0 : i32
    %dma_start3A_24 = tpu.memref_slice %arg2[%add3A_11, %dma_start3A_23] : memref<320000x128xf32, #tpu.memory_space<hbm>> -> memref<80x128xf32, #tpu.memory_space<hbm>>
    tpu.enqueue_dma source(%dma_start3A_24 : memref<80x128xf32, #tpu.memory_space<hbm>>) target(%dma_start3A_22 : memref<80x128xf32, #tpu.memory_space<vmem>>) target_semaphore(%arg10 : memref<!tpu.dma_semaphore, #tpu.memory_space<semaphore_mem>>)
    %mul3A_25 = arith.constant 640 : i32
    %mul3A_26 = arith.muli %arg1, %mul3A_25 : i32
    "tpu.region"() ({
      %run_scoped3A_72 = tpu.sem_alloc : memref<!tpu.dma_semaphore, #tpu.memory_space<semaphore_mem>>
      %dma_start3A_73 = arith.constant 0 : i32
      %dma_start3A_74 = tpu.memref_slice %arg8[%mul3A_26, %dma_start3A_73] : memref<10240x128xf32, #tpu.memory_space<vmem_shared>> -> memref<640x128xf32, #tpu.memory_space<vmem_shared>>
      %dma_start3A_75 = arith.constant 0 : i32
      %dma_start3A_76 = tpu.memref_slice %arg4[%mul3A_26, %dma_start3A_75] : memref<10240x128xf32, #tpu.memory_space<hbm>> -> memref<640x128xf32, #tpu.memory_space<hbm>>
      tpu.enqueue_dma source(%dma_start3A_76 : memref<640x128xf32, #tpu.memory_space<hbm>>) target(%dma_start3A_74 : memref<640x128xf32, #tpu.memory_space<vmem_shared>>) target_semaphore(%run_scoped3A_72 : memref<!tpu.dma_semaphore, #tpu.memory_space<semaphore_mem>>)
      %dma_wait3A_77 = arith.constant 0 : i32
      %dma_wait3A_78 = tpu.memref_slice %arg8[%mul3A_26, %dma_wait3A_77] : memref<10240x128xf32, #tpu.memory_space<vmem_shared>> -> memref<640x128xf32, #tpu.memory_space<vmem_shared>>
      %dma_wait3A_79 = arith.constant 0 : i32
      %dma_wait3A_80 = tpu.memref_slice %arg4[%mul3A_26, %dma_wait3A_79] : memref<10240x128xf32, #tpu.memory_space<hbm>> -> memref<640x128xf32, #tpu.memory_space<hbm>>
      tpu.wait_dma2 semaphore(%run_scoped3A_72 : memref<!tpu.dma_semaphore, #tpu.memory_space<semaphore_mem>>) src(%dma_wait3A_80 : memref<640x128xf32, #tpu.memory_space<hbm>>) dst(%dma_wait3A_78 : memref<640x128xf32, #tpu.memory_space<vmem_shared>>)
      tpu.yield
    }) : () -> ()
    %dma_wait3A = arith.constant 0 : i32
    %dma_wait3A_27 = arith.constant 0 : i32
    %dma_wait3A_28 = tpu.memref_slice %arg3[%add3A, %dma_wait3A, %dma_wait3A_27] : memref<32x125x80xi32, #tpu.memory_space<hbm>> -> memref<1x125x80xi32, #tpu.memory_space<hbm>>
    %dma_wait3A_29 = tpu.memref_squeeze %dma_wait3A_28 : memref<1x125x80xi32, #tpu.memory_space<hbm>> -> memref<125x80xi32, #tpu.memory_space<hbm>>
    %dma_wait3A_30 = arith.constant 0 : i32
    %dma_wait3A_31 = arith.constant 0 : i32
    %dma_wait3A_32 = tpu.memref_slice %arg3[%add3A, %dma_wait3A_30, %dma_wait3A_31] : memref<32x125x80xi32, #tpu.memory_space<hbm>> -> memref<1x125x80xi32, #tpu.memory_space<hbm>>
    %dma_wait3A_33 = tpu.memref_squeeze %dma_wait3A_32 : memref<1x125x80xi32, #tpu.memory_space<hbm>> -> memref<125x80xi32, #tpu.memory_space<hbm>>
    tpu.wait_dma2 semaphore(%arg9 : memref<!tpu.dma_semaphore, #tpu.memory_space<semaphore_mem>>) src(%dma_wait3A_33 : memref<125x80xi32, #tpu.memory_space<hbm>>) dst(%arg6 : memref<125x80xi32, #tpu.memory_space<vmem>>)
    %barrier3A = arith.constant 0 : index
    tpu.barrier barrier_id(%barrier3A)
    %add3A_34 = arith.constant 80 : i32
    %add3A_35 = arith.addi %mul3A_2, %add3A_34 : i32
    %dma_start3A_36 = arith.constant 0 : i32
    %dma_start3A_37 = arith.constant 0 : i32
    %dma_start3A_38 = arith.constant 0 : i32
    %dma_start3A_39 = tpu.memref_slice %arg7[%dma_start3A_36, %dma_start3A_37, %dma_start3A_38] : memref<2x80x128xf32, #tpu.memory_space<vmem>> -> memref<1x80x128xf32, #tpu.memory_space<vmem>>
    %dma_start3A_40 = tpu.memref_squeeze %dma_start3A_39 : memref<1x80x128xf32, #tpu.memory_space<vmem>> -> memref<80x128xf32, #tpu.memory_space<vmem>>
    %dma_start3A_41 = arith.constant 0 : i32
    %dma_start3A_42 = tpu.memref_slice %arg2[%add3A_35, %dma_start3A_41] : memref<320000x128xf32, #tpu.memory_space<hbm>> -> memref<80x128xf32, #tpu.memory_space<hbm>>
    %dma_start3A_43 = arith.constant 0 : i32
    %dma_start3A_44 = arith.constant 0 : i32
    %dma_start3A_45 = tpu.memref_slice %arg7[%dma_start3A_36, %dma_start3A_43, %dma_start3A_44] : memref<2x80x128xf32, #tpu.memory_space<vmem>> -> memref<1x80x128xf32, #tpu.memory_space<vmem>>
    %dma_start3A_46 = tpu.memref_squeeze %dma_start3A_45 : memref<1x80x128xf32, #tpu.memory_space<vmem>> -> memref<80x128xf32, #tpu.memory_space<vmem>>
    %dma_start3A_47 = arith.constant 0 : i32
    %dma_start3A_48 = tpu.memref_slice %arg2[%add3A_35, %dma_start3A_47] : memref<320000x128xf32, #tpu.memory_space<hbm>> -> memref<80x128xf32, #tpu.memory_space<hbm>>
    tpu.enqueue_dma source(%dma_start3A_48 : memref<80x128xf32, #tpu.memory_space<hbm>>) target(%dma_start3A_46 : memref<80x128xf32, #tpu.memory_space<vmem>>) target_semaphore(%arg9 : memref<!tpu.dma_semaphore, #tpu.memory_space<semaphore_mem>>)
    %scan3A = arith.constant 0 : i32
    %scan3A_49 = arith.constant 0 : i32
    %scan3A_50 = arith.constant 62 : i32
    %scan3A_51 = arith.addi %scan3A_49, %scan3A_50 : i32
    %scan3A_52 = arith.constant 1 : i32
    %scan3A_53 = scf.for %scan3A_72 = %scan3A_49 to %scan3A_51 step %scan3A_52 iter_args(%scan3A_73 = %scan3A) -> (i32)  : i32 {
      %mul3A_74 = arith.constant 2 : i32
      %mul3A_75 = arith.muli %mul3A_74, %scan3A_72 : i32
      %mul3A_76 = arith.constant 80 : i32
      %mul3A_77 = arith.muli %mul3A_75, %mul3A_76 : i32
      %add3A_78 = arith.addi %mul3A_2, %mul3A_77 : i32
      %dma_wait3A_79 = arith.constant 1 : i32
      %dma_wait3A_80 = arith.constant 0 : i32
      %dma_wait3A_81 = arith.constant 0 : i32
      %dma_wait3A_82 = tpu.memref_slice %arg7[%dma_wait3A_79, %dma_wait3A_80, %dma_wait3A_81] : memref<2x80x128xf32, #tpu.memory_space<vmem>> -> memref<1x80x128xf32, #tpu.memory_space<vmem>>
      %dma_wait3A_83 = tpu.memref_squeeze %dma_wait3A_82 : memref<1x80x128xf32, #tpu.memory_space<vmem>> -> memref<80x128xf32, #tpu.memory_space<vmem>>
      %dma_wait3A_84 = arith.constant 0 : i32
      %dma_wait3A_85 = tpu.memref_slice %arg2[%add3A_78, %dma_wait3A_84] : memref<320000x128xf32, #tpu.memory_space<hbm>> -> memref<80x128xf32, #tpu.memory_space<hbm>>
      %dma_wait3A_86 = arith.constant 0 : i32
      %dma_wait3A_87 = arith.constant 0 : i32
      %dma_wait3A_88 = tpu.memref_slice %arg7[%dma_wait3A_79, %dma_wait3A_86, %dma_wait3A_87] : memref<2x80x128xf32, #tpu.memory_space<vmem>> -> memref<1x80x128xf32, #tpu.memory_space<vmem>>
      %dma_wait3A_89 = tpu.memref_squeeze %dma_wait3A_88 : memref<1x80x128xf32, #tpu.memory_space<vmem>> -> memref<80x128xf32, #tpu.memory_space<vmem>>
      %dma_wait3A_90 = arith.constant 0 : i32
      %dma_wait3A_91 = tpu.memref_slice %arg2[%add3A_78, %dma_wait3A_90] : memref<320000x128xf32, #tpu.memory_space<hbm>> -> memref<80x128xf32, #tpu.memory_space<hbm>>
      tpu.wait_dma2 semaphore(%arg10 : memref<!tpu.dma_semaphore, #tpu.memory_space<semaphore_mem>>) src(%dma_wait3A_91 : memref<80x128xf32, #tpu.memory_space<hbm>>) dst(%dma_wait3A_89 : memref<80x128xf32, #tpu.memory_space<vmem>>)
      %run_scoped3A_92 = arith.constant 1 : i32
      "tpu.region"() ({
        %run_scoped3A_137 = tpu.sem_alloc : memref<!tpu.dma_semaphore, #tpu.memory_space<semaphore_mem>>
        %dma_start3A_138 = arith.constant 0 : i32
        %dma_start3A_139 = arith.constant 0 : i32
        %dma_start3A_140 = tpu.memref_slice %arg7[%run_scoped3A_92, %dma_start3A_138, %dma_start3A_139] : memref<2x80x128xf32, #tpu.memory_space<vmem>> -> memref<1x80x128xf32, #tpu.memory_space<vmem>>
        %dma_start3A_141 = tpu.memref_squeeze %dma_start3A_140 : memref<1x80x128xf32, #tpu.memory_space<vmem>> -> memref<80x128xf32, #tpu.memory_space<vmem>>
        %dma_start3A_142 = arith.constant 0 : i32
        %dma_start3A_143 = tpu.memref_slice %arg6[%mul3A_75, %dma_start3A_142] : memref<125x80xi32, #tpu.memory_space<vmem>> -> memref<1x80xi32, #tpu.memory_space<vmem>>
        %dma_start3A_144 = tpu.memref_squeeze %dma_start3A_143 : memref<1x80xi32, #tpu.memory_space<vmem>> -> memref<80xi32, #tpu.memory_space<vmem>>
        %dma_start3A_145 = arith.constant 0 : i32
        %dma_start3A_146 = arith.constant 0 : i32
        %dma_start3A_147 = tpu.memref_slice %arg8[%dma_start3A_145, %dma_start3A_146] : memref<10240x128xf32, #tpu.memory_space<vmem_shared>> -> memref<10240x128xf32, #tpu.memory_space<vmem_shared>>
        tpu.enqueue_indirect_dma source(%dma_start3A_141 : memref<80x128xf32, #tpu.memory_space<vmem>>) target(%dma_start3A_147 : memref<10240x128xf32, #tpu.memory_space<vmem_shared>>) offsets(%dma_start3A_144 : memref<80xi32, #tpu.memory_space<vmem>>) semaphore(%run_scoped3A_137 : memref<!tpu.dma_semaphore, #tpu.memory_space<semaphore_mem>>) {add = true}
        %dma_wait3A_148 = arith.constant 0 : i32
        %dma_wait3A_149 = arith.constant 0 : i32
        %dma_wait3A_150 = tpu.memref_slice %arg7[%run_scoped3A_92, %dma_wait3A_148, %dma_wait3A_149] : memref<2x80x128xf32, #tpu.memory_space<vmem>> -> memref<1x80x128xf32, #tpu.memory_space<vmem>>
        %dma_wait3A_151 = tpu.memref_squeeze %dma_wait3A_150 : memref<1x80x128xf32, #tpu.memory_space<vmem>> -> memref<80x128xf32, #tpu.memory_space<vmem>>
        %dma_wait3A_152 = arith.constant 0 : i32
        %dma_wait3A_153 = tpu.memref_slice %arg6[%mul3A_75, %dma_wait3A_152] : memref<125x80xi32, #tpu.memory_space<vmem>> -> memref<1x80xi32, #tpu.memory_space<vmem>>
        %dma_wait3A_154 = tpu.memref_squeeze %dma_wait3A_153 : memref<1x80xi32, #tpu.memory_space<vmem>> -> memref<80xi32, #tpu.memory_space<vmem>>
        %dma_wait3A_155 = arith.constant 0 : i32
        %dma_wait3A_156 = arith.constant 0 : i32
        %dma_wait3A_157 = tpu.memref_slice %arg8[%dma_wait3A_155, %dma_wait3A_156] : memref<10240x128xf32, #tpu.memory_space<vmem_shared>> -> memref<10240x128xf32, #tpu.memory_space<vmem_shared>>
        tpu.wait_indirect_dma semaphore(%run_scoped3A_137 : memref<!tpu.dma_semaphore, #tpu.memory_space<semaphore_mem>>) src(%dma_wait3A_151 : memref<80x128xf32, #tpu.memory_space<vmem>>) dst(%dma_wait3A_157 : memref<10240x128xf32, #tpu.memory_space<vmem_shared>>)
        tpu.yield
      }) : () -> ()
      %add3A_93 = arith.constant 2 : i32
      %add3A_94 = arith.addi %mul3A_75, %add3A_93 : i32
      %mul3A_95 = arith.constant 80 : i32
      %mul3A_96 = arith.muli %add3A_94, %mul3A_95 : i32
      %add3A_97 = arith.addi %mul3A_2, %mul3A_96 : i32
      %dma_start3A_98 = arith.constant 1 : i32
      %dma_start3A_99 = arith.constant 0 : i32
      %dma_start3A_100 = arith.constant 0 : i32
      %dma_start3A_101 = tpu.memref_slice %arg7[%dma_start3A_98, %dma_start3A_99, %dma_start3A_100] : memref<2x80x128xf32, #tpu.memory_space<vmem>> -> memref<1x80x128xf32, #tpu.memory_space<vmem>>
      %dma_start3A_102 = tpu.memref_squeeze %dma_start3A_101 : memref<1x80x128xf32, #tpu.memory_space<vmem>> -> memref<80x128xf32, #tpu.memory_space<vmem>>
      %dma_start3A_103 = arith.constant 0 : i32
      %dma_start3A_104 = tpu.memref_slice %arg2[%add3A_97, %dma_start3A_103] : memref<320000x128xf32, #tpu.memory_space<hbm>> -> memref<80x128xf32, #tpu.memory_space<hbm>>
      %dma_start3A_105 = arith.constant 0 : i32
      %dma_start3A_106 = arith.constant 0 : i32
      %dma_start3A_107 = tpu.memref_slice %arg7[%dma_start3A_98, %dma_start3A_105, %dma_start3A_106] : memref<2x80x128xf32, #tpu.memory_space<vmem>> -> memref<1x80x128xf32, #tpu.memory_space<vmem>>
      %dma_start3A_108 = tpu.memref_squeeze %dma_start3A_107 : memref<1x80x128xf32, #tpu.memory_space<vmem>> -> memref<80x128xf32, #tpu.memory_space<vmem>>
      %dma_start3A_109 = arith.constant 0 : i32
      %dma_start3A_110 = tpu.memref_slice %arg2[%add3A_97, %dma_start3A_109] : memref<320000x128xf32, #tpu.memory_space<hbm>> -> memref<80x128xf32, #tpu.memory_space<hbm>>
      tpu.enqueue_dma source(%dma_start3A_110 : memref<80x128xf32, #tpu.memory_space<hbm>>) target(%dma_start3A_108 : memref<80x128xf32, #tpu.memory_space<vmem>>) target_semaphore(%arg10 : memref<!tpu.dma_semaphore, #tpu.memory_space<semaphore_mem>>)
      %add3A_111 = arith.constant 1 : i32
      %add3A_112 = arith.addi %mul3A_75, %add3A_111 : i32
      %mul3A_113 = arith.constant 80 : i32
      %mul3A_114 = arith.muli %add3A_112, %mul3A_113 : i32
      %add3A_115 = arith.addi %mul3A_2, %mul3A_114 : i32
      %dma_wait3A_116 = arith.constant 0 : i32
      %dma_wait3A_117 = arith.constant 0 : i32
      %dma_wait3A_118 = arith.constant 0 : i32
      %dma_wait3A_119 = tpu.memref_slice %arg7[%dma_wait3A_116, %dma_wait3A_117, %dma_wait3A_118] : memref<2x80x128xf32, #tpu.memory_space<vmem>> -> memref<1x80x128xf32, #tpu.memory_space<vmem>>
      %dma_wait3A_120 = tpu.memref_squeeze %dma_wait3A_119 : memref<1x80x128xf32, #tpu.memory_space<vmem>> -> memref<80x128xf32, #tpu.memory_space<vmem>>
      %dma_wait3A_121 = arith.constant 0 : i32
      %dma_wait3A_122 = tpu.memref_slice %arg2[%add3A_115, %dma_wait3A_121] : memref<320000x128xf32, #tpu.memory_space<hbm>> -> memref<80x128xf32, #tpu.memory_space<hbm>>
      %dma_wait3A_123 = arith.constant 0 : i32
      %dma_wait3A_124 = arith.constant 0 : i32
      %dma_wait3A_125 = tpu.memref_slice %arg7[%dma_wait3A_116, %dma_wait3A_123, %dma_wait3A_124] : memref<2x80x128xf32, #tpu.memory_space<vmem>> -> memref<1x80x128xf32, #tpu.memory_space<vmem>>
      %dma_wait3A_126 = tpu.memref_squeeze %dma_wait3A_125 : memref<1x80x128xf32, #tpu.memory_space<vmem>> -> memref<80x128xf32, #tpu.memory_space<vmem>>
      %dma_wait3A_127 = arith.constant 0 : i32
      %dma_wait3A_128 = tpu.memref_slice %arg2[%add3A_115, %dma_wait3A_127] : memref<320000x128xf32, #tpu.memory_space<hbm>> -> memref<80x128xf32, #tpu.memory_space<hbm>>
      tpu.wait_dma2 semaphore(%arg9 : memref<!tpu.dma_semaphore, #tpu.memory_space<semaphore_mem>>) src(%dma_wait3A_128 : memref<80x128xf32, #tpu.memory_space<hbm>>) dst(%dma_wait3A_126 : memref<80x128xf32, #tpu.memory_space<vmem>>)
      %add3A_129 = arith.constant 1 : i32
      %add3A_130 = arith.addi %mul3A_75, %add3A_129 : i32
      %run_scoped3A_131 = arith.constant 0 : i32
      "tpu.region"() ({
        %run_scoped3A_137 = tpu.sem_alloc : memref<!tpu.dma_semaphore, #tpu.memory_space<semaphore_mem>>
        %dma_start3A_138 = arith.constant 0 : i32
        %dma_start3A_139 = arith.constant 0 : i32
        %dma_start3A_140 = tpu.memref_slice %arg7[%run_scoped3A_131, %dma_start3A_138, %dma_start3A_139] : memref<2x80x128xf32, #tpu.memory_space<vmem>> -> memref<1x80x128xf32, #tpu.memory_space<vmem>>
        %dma_start3A_141 = tpu.memref_squeeze %dma_start3A_140 : memref<1x80x128xf32, #tpu.memory_space<vmem>> -> memref<80x128xf32, #tpu.memory_space<vmem>>
        %dma_start3A_142 = arith.constant 0 : i32
        %dma_start3A_143 = tpu.memref_slice %arg6[%add3A_130, %dma_start3A_142] : memref<125x80xi32, #tpu.memory_space<vmem>> -> memref<1x80xi32, #tpu.memory_space<vmem>>
        %dma_start3A_144 = tpu.memref_squeeze %dma_start3A_143 : memref<1x80xi32, #tpu.memory_space<vmem>> -> memref<80xi32, #tpu.memory_space<vmem>>
        %dma_start3A_145 = arith.constant 0 : i32
        %dma_start3A_146 = arith.constant 0 : i32
        %dma_start3A_147 = tpu.memref_slice %arg8[%dma_start3A_145, %dma_start3A_146] : memref<10240x128xf32, #tpu.memory_space<vmem_shared>> -> memref<10240x128xf32, #tpu.memory_space<vmem_shared>>
        tpu.enqueue_indirect_dma source(%dma_start3A_141 : memref<80x128xf32, #tpu.memory_space<vmem>>) target(%dma_start3A_147 : memref<10240x128xf32, #tpu.memory_space<vmem_shared>>) offsets(%dma_start3A_144 : memref<80xi32, #tpu.memory_space<vmem>>) semaphore(%run_scoped3A_137 : memref<!tpu.dma_semaphore, #tpu.memory_space<semaphore_mem>>) {add = true}
        %dma_wait3A_148 = arith.constant 0 : i32
        %dma_wait3A_149 = arith.constant 0 : i32
        %dma_wait3A_150 = tpu.memref_slice %arg7[%run_scoped3A_131, %dma_wait3A_148, %dma_wait3A_149] : memref<2x80x128xf32, #tpu.memory_space<vmem>> -> memref<1x80x128xf32, #tpu.memory_space<vmem>>
        %dma_wait3A_151 = tpu.memref_squeeze %dma_wait3A_150 : memref<1x80x128xf32, #tpu.memory_space<vmem>> -> memref<80x128xf32, #tpu.memory_space<vmem>>
        %dma_wait3A_152 = arith.constant 0 : i32
        %dma_wait3A_153 = tpu.memref_slice %arg6[%add3A_130, %dma_wait3A_152] : memref<125x80xi32, #tpu.memory_space<vmem>> -> memref<1x80xi32, #tpu.memory_space<vmem>>
        %dma_wait3A_154 = tpu.memref_squeeze %dma_wait3A_153 : memref<1x80xi32, #tpu.memory_space<vmem>> -> memref<80xi32, #tpu.memory_space<vmem>>
        %dma_wait3A_155 = arith.constant 0 : i32
        %dma_wait3A_156 = arith.constant 0 : i32
        %dma_wait3A_157 = tpu.memref_slice %arg8[%dma_wait3A_155, %dma_wait3A_156] : memref<10240x128xf32, #tpu.memory_space<vmem_shared>> -> memref<10240x128xf32, #tpu.memory_space<vmem_shared>>
        tpu.wait_indirect_dma semaphore(%run_scoped3A_137 : memref<!tpu.dma_semaphore, #tpu.memory_space<semaphore_mem>>) src(%dma_wait3A_151 : memref<80x128xf32, #tpu.memory_space<vmem>>) dst(%dma_wait3A_157 : memref<10240x128xf32, #tpu.memory_space<vmem_shared>>)
        tpu.yield
      }) : () -> ()
      %add3A_132 = arith.constant 3 : i32
      %add3A_133 = arith.addi %mul3A_75, %add3A_132 : i32
      %lt3A = arith.constant 125 : i32
      %lt3A_134 = arith.cmpi slt, %add3A_133, %lt3A : i32
      %convert_element_type3A = arith.extui %lt3A_134 : i1 to i32
      %cond3A = arith.constant 0 : i32
      %cond3A_135 = arith.cmpi ne, %convert_element_type3A, %cond3A : i32
      scf.if %cond3A_135 {
        %add3A_137 = arith.constant 3 : i32
        %add3A_138 = arith.addi %mul3A_75, %add3A_137 : i32
        %mul3A_139 = arith.constant 80 : i32
        %mul3A_140 = arith.muli %add3A_138, %mul3A_139 : i32
        %add3A_141 = arith.addi %mul3A_2, %mul3A_140 : i32
        %dma_start3A_142 = arith.constant 0 : i32
        %dma_start3A_143 = arith.constant 0 : i32
        %dma_start3A_144 = arith.constant 0 : i32
        %dma_start3A_145 = tpu.memref_slice %arg7[%dma_start3A_142, %dma_start3A_143, %dma_start3A_144] : memref<2x80x128xf32, #tpu.memory_space<vmem>> -> memref<1x80x128xf32, #tpu.memory_space<vmem>>
        %dma_start3A_146 = tpu.memref_squeeze %dma_start3A_145 : memref<1x80x128xf32, #tpu.memory_space<vmem>> -> memref<80x128xf32, #tpu.memory_space<vmem>>
        %dma_start3A_147 = arith.constant 0 : i32
        %dma_start3A_148 = tpu.memref_slice %arg2[%add3A_141, %dma_start3A_147] : memref<320000x128xf32, #tpu.memory_space<hbm>> -> memref<80x128xf32, #tpu.memory_space<hbm>>
        %dma_start3A_149 = arith.constant 0 : i32
        %dma_start3A_150 = arith.constant 0 : i32
        %dma_start3A_151 = tpu.memref_slice %arg7[%dma_start3A_142, %dma_start3A_149, %dma_start3A_150] : memref<2x80x128xf32, #tpu.memory_space<vmem>> -> memref<1x80x128xf32, #tpu.memory_space<vmem>>
        %dma_start3A_152 = tpu.memref_squeeze %dma_start3A_151 : memref<1x80x128xf32, #tpu.memory_space<vmem>> -> memref<80x128xf32, #tpu.memory_space<vmem>>
        %dma_start3A_153 = arith.constant 0 : i32
        %dma_start3A_154 = tpu.memref_slice %arg2[%add3A_141, %dma_start3A_153] : memref<320000x128xf32, #tpu.memory_space<hbm>> -> memref<80x128xf32, #tpu.memory_space<hbm>>
        tpu.enqueue_dma source(%dma_start3A_154 : memref<80x128xf32, #tpu.memory_space<hbm>>) target(%dma_start3A_152 : memref<80x128xf32, #tpu.memory_space<vmem>>) target_semaphore(%arg9 : memref<!tpu.dma_semaphore, #tpu.memory_space<semaphore_mem>>)
      } else {
      }
      %scan3A_136 = arith.constant 0 : i32
      scf.yield %scan3A_136 : i32
    }
    %scan3A_54 = arith.constant 62 : i32
    %add3A_55 = arith.constant 9920 : i32
    %add3A_56 = arith.addi %mul3A_2, %add3A_55 : i32
    %dma_wait3A_57 = arith.constant 1 : i32
    %dma_wait3A_58 = arith.constant 0 : i32
    %dma_wait3A_59 = arith.constant 0 : i32
    %dma_wait3A_60 = tpu.memref_slice %arg7[%dma_wait3A_57, %dma_wait3A_58, %dma_wait3A_59] : memref<2x80x128xf32, #tpu.memory_space<vmem>> -> memref<1x80x128xf32, #tpu.memory_space<vmem>>
    %dma_wait3A_61 = tpu.memref_squeeze %dma_wait3A_60 : memref<1x80x128xf32, #tpu.memory_space<vmem>> -> memref<80x128xf32, #tpu.memory_space<vmem>>
    %dma_wait3A_62 = arith.constant 0 : i32
    %dma_wait3A_63 = tpu.memref_slice %arg2[%add3A_56, %dma_wait3A_62] : memref<320000x128xf32, #tpu.memory_space<hbm>> -> memref<80x128xf32, #tpu.memory_space<hbm>>
    %dma_wait3A_64 = arith.constant 0 : i32
    %dma_wait3A_65 = arith.constant 0 : i32
    %dma_wait3A_66 = tpu.memref_slice %arg7[%dma_wait3A_57, %dma_wait3A_64, %dma_wait3A_65] : memref<2x80x128xf32, #tpu.memory_space<vmem>> -> memref<1x80x128xf32, #tpu.memory_space<vmem>>
    %dma_wait3A_67 = tpu.memref_squeeze %dma_wait3A_66 : memref<1x80x128xf32, #tpu.memory_space<vmem>> -> memref<80x128xf32, #tpu.memory_space<vmem>>
    %dma_wait3A_68 = arith.constant 0 : i32
    %dma_wait3A_69 = tpu.memref_slice %arg2[%add3A_56, %dma_wait3A_68] : memref<320000x128xf32, #tpu.memory_space<hbm>> -> memref<80x128xf32, #tpu.memory_space<hbm>>
    tpu.wait_dma2 semaphore(%arg10 : memref<!tpu.dma_semaphore, #tpu.memory_space<semaphore_mem>>) src(%dma_wait3A_69 : memref<80x128xf32, #tpu.memory_space<hbm>>) dst(%dma_wait3A_67 : memref<80x128xf32, #tpu.memory_space<vmem>>)
    %run_scoped3A = arith.constant 1 : i32
    %run_scoped3A_70 = arith.constant 124 : i32
    "tpu.region"() ({
      %run_scoped3A_72 = tpu.sem_alloc : memref<!tpu.dma_semaphore, #tpu.memory_space<semaphore_mem>>
      %dma_start3A_73 = arith.constant 0 : i32
      %dma_start3A_74 = arith.constant 0 : i32
      %dma_start3A_75 = tpu.memref_slice %arg7[%run_scoped3A, %dma_start3A_73, %dma_start3A_74] : memref<2x80x128xf32, #tpu.memory_space<vmem>> -> memref<1x80x128xf32, #tpu.memory_space<vmem>>
      %dma_start3A_76 = tpu.memref_squeeze %dma_start3A_75 : memref<1x80x128xf32, #tpu.memory_space<vmem>> -> memref<80x128xf32, #tpu.memory_space<vmem>>
      %dma_start3A_77 = arith.constant 0 : i32
      %dma_start3A_78 = tpu.memref_slice %arg6[%run_scoped3A_70, %dma_start3A_77] : memref<125x80xi32, #tpu.memory_space<vmem>> -> memref<1x80xi32, #tpu.memory_space<vmem>>
      %dma_start3A_79 = tpu.memref_squeeze %dma_start3A_78 : memref<1x80xi32, #tpu.memory_space<vmem>> -> memref<80xi32, #tpu.memory_space<vmem>>
      %dma_start3A_80 = arith.constant 0 : i32
      %dma_start3A_81 = arith.constant 0 : i32
      %dma_start3A_82 = tpu.memref_slice %arg8[%dma_start3A_80, %dma_start3A_81] : memref<10240x128xf32, #tpu.memory_space<vmem_shared>> -> memref<10240x128xf32, #tpu.memory_space<vmem_shared>>
      tpu.enqueue_indirect_dma source(%dma_start3A_76 : memref<80x128xf32, #tpu.memory_space<vmem>>) target(%dma_start3A_82 : memref<10240x128xf32, #tpu.memory_space<vmem_shared>>) offsets(%dma_start3A_79 : memref<80xi32, #tpu.memory_space<vmem>>) semaphore(%run_scoped3A_72 : memref<!tpu.dma_semaphore, #tpu.memory_space<semaphore_mem>>) {add = true}
      %dma_wait3A_83 = arith.constant 0 : i32
      %dma_wait3A_84 = arith.constant 0 : i32
      %dma_wait3A_85 = tpu.memref_slice %arg7[%run_scoped3A, %dma_wait3A_83, %dma_wait3A_84] : memref<2x80x128xf32, #tpu.memory_space<vmem>> -> memref<1x80x128xf32, #tpu.memory_space<vmem>>
      %dma_wait3A_86 = tpu.memref_squeeze %dma_wait3A_85 : memref<1x80x128xf32, #tpu.memory_space<vmem>> -> memref<80x128xf32, #tpu.memory_space<vmem>>
      %dma_wait3A_87 = arith.constant 0 : i32
      %dma_wait3A_88 = tpu.memref_slice %arg6[%run_scoped3A_70, %dma_wait3A_87] : memref<125x80xi32, #tpu.memory_space<vmem>> -> memref<1x80xi32, #tpu.memory_space<vmem>>
      %dma_wait3A_89 = tpu.memref_squeeze %dma_wait3A_88 : memref<1x80xi32, #tpu.memory_space<vmem>> -> memref<80xi32, #tpu.memory_space<vmem>>
      %dma_wait3A_90 = arith.constant 0 : i32
      %dma_wait3A_91 = arith.constant 0 : i32
      %dma_wait3A_92 = tpu.memref_slice %arg8[%dma_wait3A_90, %dma_wait3A_91] : memref<10240x128xf32, #tpu.memory_space<vmem_shared>> -> memref<10240x128xf32, #tpu.memory_space<vmem_shared>>
      tpu.wait_indirect_dma semaphore(%run_scoped3A_72 : memref<!tpu.dma_semaphore, #tpu.memory_space<semaphore_mem>>) src(%dma_wait3A_86 : memref<80x128xf32, #tpu.memory_space<vmem>>) dst(%dma_wait3A_92 : memref<10240x128xf32, #tpu.memory_space<vmem_shared>>)
      tpu.yield
    }) : () -> ()
    %barrier3A_71 = arith.constant 0 : index
    tpu.barrier barrier_id(%barrier3A_71)
    "tpu.region"() ({
      %run_scoped3A_72 = tpu.sem_alloc : memref<!tpu.dma_semaphore, #tpu.memory_space<semaphore_mem>>
      %dma_start3A_73 = arith.constant 0 : i32
      %dma_start3A_74 = tpu.memref_slice %arg5[%arg0, %mul3A_26, %dma_start3A_73] : memref<2x10240x128xf32, #tpu.memory_space<hbm>> -> memref<1x640x128xf32, #tpu.memory_space<hbm>>
      %dma_start3A_75 = tpu.memref_squeeze %dma_start3A_74 : memref<1x640x128xf32, #tpu.memory_space<hbm>> -> memref<640x128xf32, #tpu.memory_space<hbm>>
      %dma_start3A_76 = arith.constant 0 : i32
      %dma_start3A_77 = tpu.memref_slice %arg8[%mul3A_26, %dma_start3A_76] : memref<10240x128xf32, #tpu.memory_space<vmem_shared>> -> memref<640x128xf32, #tpu.memory_space<vmem_shared>>
      tpu.enqueue_dma source(%dma_start3A_77 : memref<640x128xf32, #tpu.memory_space<vmem_shared>>) target(%dma_start3A_75 : memref<640x128xf32, #tpu.memory_space<hbm>>) target_semaphore(%run_scoped3A_72 : memref<!tpu.dma_semaphore, #tpu.memory_space<semaphore_mem>>)
      %dma_wait3A_78 = arith.constant 0 : i32
      %dma_wait3A_79 = tpu.memref_slice %arg5[%arg0, %mul3A_26, %dma_wait3A_78] : memref<2x10240x128xf32, #tpu.memory_space<hbm>> -> memref<1x640x128xf32, #tpu.memory_space<hbm>>
      %dma_wait3A_80 = tpu.memref_squeeze %dma_wait3A_79 : memref<1x640x128xf32, #tpu.memory_space<hbm>> -> memref<640x128xf32, #tpu.memory_space<hbm>>
      %dma_wait3A_81 = arith.constant 0 : i32
      %dma_wait3A_82 = tpu.memref_slice %arg8[%mul3A_26, %dma_wait3A_81] : memref<10240x128xf32, #tpu.memory_space<vmem_shared>> -> memref<640x128xf32, #tpu.memory_space<vmem_shared>>
      tpu.wait_dma2 semaphore(%run_scoped3A_72 : memref<!tpu.dma_semaphore, #tpu.memory_space<semaphore_mem>>) src(%dma_wait3A_82 : memref<640x128xf32, #tpu.memory_space<vmem_shared>>) dst(%dma_wait3A_80 : memref<640x128xf32, #tpu.memory_space<hbm>>)
      tpu.yield
    }) : () -> ()
    return
  }
}

module attributes {stable_mosaic.version = 14 : i64} {
  func.func @_combine_body(%arg0: i32, %arg1: memref<2x2048x128xf32, #tpu.memory_space<vmem>>, %arg2: memref<2048x32xf32, #tpu.memory_space<vmem>>, %arg3: memref<2048x128xf32, #tpu.memory_space<vmem>>) attributes {dimension_semantics = [#tpu.dimension_semantics<arbitrary>], iteration_bounds = array<i64: 5>, scalar_prefetch = 0 : i64, scratch_operands = 0 : i64, tpu.core_type = #tpu.core_type<tc>, window_params = [{transform_indices = @transform_0, window_bounds = array<i64: 2, 2048, 128>}, {transform_indices = @transform_1, window_bounds = array<i64: 2048, 32>}, {transform_indices = @transform_2, window_bounds = array<i64: 2048, 128>}]} {
    %get3A = arith.constant 0 : index
    %get3A_0 = arith.constant 0 : index
    %get3A_1 = arith.constant 0 : index
    %get3A_2 = vector.load %arg1[%get3A, %get3A_0, %get3A_1] : memref<2x2048x128xf32, #tpu.memory_space<vmem>>, vector<1x2048x128xf32>
    %get3A_3 = vector.shape_cast %get3A_2 : vector<1x2048x128xf32> to vector<2048x128xf32>
    %get3A_4 = arith.constant 1 : index
    %get3A_5 = arith.constant 0 : index
    %get3A_6 = arith.constant 0 : index
    %get3A_7 = vector.load %arg1[%get3A_4, %get3A_5, %get3A_6] : memref<2x2048x128xf32, #tpu.memory_space<vmem>>, vector<1x2048x128xf32>
    %get3A_8 = vector.shape_cast %get3A_7 : vector<1x2048x128xf32> to vector<2048x128xf32>
    %add3A = arith.addf %get3A_3, %get3A_8 : vector<2048x128xf32>
    %get3A_9 = arith.constant 0 : index
    %get3A_10 = arith.constant 0 : index
    %get3A_11 = vector.load %arg2[%get3A_9, %get3A_10] : memref<2048x32xf32, #tpu.memory_space<vmem>>, vector<2048x32xf32>
    %reduce_sum3A = arith.constant dense<0.000000e+00> : vector<2048xf32>
    %reduce_sum3A_12 = vector.multi_reduction <add>, %get3A_11, %reduce_sum3A [1] : vector<2048x32xf32> to vector<2048xf32>
    %broadcast_in_dim3A = vector.shape_cast %reduce_sum3A_12 : vector<2048xf32> to vector<2048x1xf32>
    %max3A = arith.constant 1.000000e+00 : f32
    %max3A_13 = vector.broadcast %max3A : f32 to vector<2048x1xf32>
    %max3A_14 = arith.maximumf %broadcast_in_dim3A, %max3A_13 : vector<2048x1xf32>
    %div3A = arith.constant 1.000000e+00 : f32
    %div3A_15 = vector.broadcast %div3A : f32 to vector<2048x1xf32>
    %div3A_16 = arith.divf %div3A_15, %max3A_14 : vector<2048x1xf32>
    %mul3A = vector.broadcast %div3A_16 : vector<2048x1xf32> to vector<2048x128xf32>
    %mul3A_17 = arith.mulf %add3A, %mul3A : vector<2048x128xf32>
    %swap3A = arith.constant 0 : index
    %swap3A_18 = arith.constant 0 : index
    %swap3A_19 = vector.load %arg3[%swap3A, %swap3A_18] : memref<2048x128xf32, #tpu.memory_space<vmem>>, vector<2048x128xf32>
    tpu.vector_store %arg3[%swap3A, %swap3A_18], %mul3A_17 {strides = array<i32>} : memref<2048x128xf32, #tpu.memory_space<vmem>>, vector<2048x128xf32>,
    return
  }
  func.func @transform_0(%arg0: i32) -> (i32, i32, i32) {
    %c0_i32 = arith.constant 0 : i32
    %c0_i32_0 = arith.constant 0 : i32
    %c0_i32_1 = arith.constant 0 : i32
    return %c0_i32, %arg0, %c0_i32_0 : i32, i32, i32
  }
  func.func @transform_1(%arg0: i32) -> (i32, i32) {
    %c0_i32 = arith.constant 0 : i32
    %c0_i32_0 = arith.constant 0 : i32
    return %arg0, %c0_i32 : i32, i32
  }
  func.func @transform_2(%arg0: i32) -> (i32, i32) {
    %c0_i32 = arith.constant 0 : i32
    %c0_i32_0 = arith.constant 0 : i32
    return %arg0, %c0_i32 : i32, i32
  }
}

</mosaic_0001>

<sc_bundles>
// kernel: kernel.5.cloned.1.call-start
scs
__scs_entry_jumppad:
0x0: {  	(pc) =	sbr.rel $0x88, $3  }
0x1: {  	(tag) =	ssettag $0x0;
	lr =	simm.s32 $0x1  }
0x2: {  	[smem:$0x3F9F] =	sst lr;
	_ =	strace $0xD0000000  }
0x3: {  	_ = 	snop  }
0x4: {  	_ = 	snop  }
0x5: {  	_ = 	snop  }
0x6: {  	_ = 	snop  }
0x7: {  	_ = 	snop  }
__scs_overlays_trampoline_lowered:
0x8: {  	[smem:$0x3FAE] =	sst s0  }
0x9: {  	[smem:$0x3FAF] =	sst s1  }
0xa: {  	[smem:$0x3FB0] =	sst s2  }
0xb: {  	[smem:$0x3FB1] =	sst s3  }
0xc: {  	[smem:$0x3FB2] =	sst s4  }
0xd: {  	[smem:$0x3FB3] =	sst s5  }
0xe: {  	[smem:$0x3FB4] =	sst s6  }
0xf: {  	[smem:$0x3FB5] =	sst s7  }
0x10: {  	[smem:$0x3FB6] =	sst s8  }
0x11: {  	[smem:$0x3FB7] =	sst s9;
	s0 =	simm.s32 @!p0 $0x0  }
0x12: {  	s1 =	sld [smem:$0x3F9D];
	s0 =	simm.s32 @p0 $0x1  }
0x13: {  	[smem:$0x3FB8] =	sst s0;
	s0 =	simm.s32 @!p1 $0x0  }
0x14: {  	s2 =	sld [smem:$0x3F9C];
	s0 =	simm.s32 @p1 $0x1  }
0x15: {  	[smem:$0x3FB9] =	sst s0;
	s0 =	simm.s32 @!p2 $0x0  }
0x16: {  	s3 =	sld [smem:$0x3FDB];
	s0 =	simm.s32 @p2 $0x1  }
0x17: {  	s4 =	simm.s32 $0x1BF5;
	[smem:$0x3FBB] =	sst s0  }
0x18: {  	s0 =	sld [smem:$0x3F9E];
	_ =	swait.ge [sflag:s4], $0x0  }
0x19: {  	s7 =	sld [smem:$0x3F9F]  }
0x1a: {  	s8 =	sadd.s32 $0xFFFFE003, lr  }
0x1b: {  	s9 =	sadd.s32 $0xFFFFFEF7, lr;
	s5 =	simm.s32 $0xFFFFFFFF;
	p2 =	slt.u32 s8, $0xFFFFF086  }
0x1c: {  	p1 =	slt.u32 s9, $0xF7A;
	s5 =	simm.s32 @!p2 $0x0  }
0x1d: {  	s5 =	simm.s32 @p1 $0x1;
	p0 =	seq.s32 s7, s2  }
0x1e: {  	s7 =	smul.u32 @!p0 $0xF7A, s2;
	p2 =	seq.s32 @!p0 s5, $0x0  }
0x1f: {  	s9 =	smul.u32 $0xF7A, s1;
	s8 =	simm.s32 @!p0 $0x1BF5;
	p2 =	por !p2, p0  }
0x20: {  	[sflag:s8] =	ssyncset.s32 @!p0 $0xFFFFF086;
	s6 =	sadd.s32 @!p0 s3, s7;
	s7 =	simm.s32 @!p0 $0x108  }
0x21: {  	s3 =	sadd.s32 s3, s9;
	s6 =	sadd.s32 @!p0 $0x88, s6;
	s7 =	simm.s32 @p2 $0x1082  }
0x22: {  	[simem:s7], [sflag:s8] =	dma.local @!p0 [hbm:s6], $0xF7A  }
0x23: {  	s9 =	sor.u32 $0xD0000000, s2;
	s6 =	simm.s32 $0x108;
	_ =	swait.ge @!p0 [sflag:s8], $0x0  }
0x24: {  	s3 =	sadd.s32 $0x88, s3;
	s6 =	simm.s32 @!p1 $0x1082;
	[sflag:s4] =	ssyncset.s32 $0xFFFFF086  }
0x25: {  	[simem:s6], [sflag:s4] =	dma.local [hbm:s3], $0xF7A  }
0x26: {  	[smem:$0x3F9F] =	sst s1;
	(tag) =	ssettag s2;
	_ =	strace s9  }
0x27: {  	s1 =	sld [smem:$0x3FAF]  }
0x28: {  	s2 =	sld [smem:$0x3FB0]  }
0x29: {  	s4 =	sld [smem:$0x3FB2]  }
0x2a: {  	p0 =	seq.s32 s5, $0x0;
	s5 =	sld [smem:$0x3FB3]  }
0x2b: {  	s6 =	sld [smem:$0x3FB4]  }
0x2c: {  	s7 =	sld [smem:$0x3FB5]  }
0x2d: {  	s3 =	simm.s32 $0x108;
	s8 =	sld [smem:$0x3FB6]  }
0x2e: {  	s3 =	simm.s32 @!p0 $0x1082;
	s9 =	sld [smem:$0x3FB7]  }
0x2f: {  	lr =	sadd.s32 s0, s3;
	s0 =	sld [smem:$0x3FAE]  }
0x30: {  	s3 =	sld [smem:$0x3FB1]  }
0x31: {  	[smem:$0x3FBA] =	sst s10  }
0x32: {  	s10 =	sld [smem:$0x3FB8];
	_ =	sdelay $0x3  }
0x33: {  	p0 =	seq.s32 s10, $0x1;
	s10 =	sld [smem:$0x3FBA];
	_ =	sdelay $0x3  }
0x34: {  	[smem:$0x3FBA] =	sst s10  }
0x35: {  	s10 =	sld [smem:$0x3FB9];
	_ =	sdelay $0x3  }
0x36: {  	p1 =	seq.s32 s10, $0x1;
	s10 =	sld [smem:$0x3FBA];
	_ =	sdelay $0x3  }
0x37: {  	[smem:$0x3FBA] =	sst s10  }
0x38: {  	s10 =	sld [smem:$0x3FBB]  }
0x39: {  	_ = 	snop;
	(pc) =	sbr.ind lr, $3  }
0x3a: {  	_ = 	snop  }
0x3b: {  	_ = 	snop  }
0x3c: {  	p2 =	seq.s32 s10, $0x1;
	s10 =	sld [smem:$0x3FBA]  }
0x3d: {  	_ =	shalt  }
0x3e: {  	_ =	shalt  }
0x3f: {  	_ =	shalt  }
0x40: {  	_ =	shalt  }
0x41: {  	_ =	shalt  }
0x42: {  	_ =	shalt  }
0x43: {  	_ =	shalt  }
0x44: {  	_ =	shalt  }
0x45: {  	_ =	shalt  }
0x46: {  	_ =	shalt  }
0x47: {  	_ =	shalt  }
0x48: {  	_ =	shalt  }
0x49: {  	_ =	shalt  }
0x4a: {  	_ =	shalt  }
0x4b: {  	_ =	shalt  }
0x4c: {  	_ =	shalt  }
0x4d: {  	_ =	shalt  }
0x4e: {  	_ =	shalt  }
0x4f: {  	_ =	shalt  }
0x50: {  	_ =	shalt  }
0x51: {  	_ =	shalt  }
0x52: {  	_ =	shalt  }
0x53: {  	_ =	shalt  }
0x54: {  	_ =	shalt  }
0x55: {  	_ =	shalt  }
0x56: {  	_ =	shalt  }
0x57: {  	_ =	shalt  }
0x58: {  	_ =	shalt  }
0x59: {  	_ =	shalt  }
0x5a: {  	_ =	shalt  }
0x5b: {  	_ =	shalt  }
0x5c: {  	_ =	shalt  }
0x5d: {  	_ =	shalt  }
0x5e: {  	_ =	shalt  }
0x5f: {  	_ =	shalt  }
0x60: {  	_ =	shalt  }
0x61: {  	_ =	shalt  }
0x62: {  	_ =	shalt  }
0x63: {  	_ =	shalt  }
0x64: {  	_ =	shalt  }
0x65: {  	_ =	shalt  }
0x66: {  	_ =	shalt  }
0x67: {  	_ =	shalt  }
0x68: {  	_ =	shalt  }
0x69: {  	_ =	shalt  }
0x6a: {  	_ =	shalt  }
0x6b: {  	_ =	shalt  }
0x6c: {  	_ =	shalt  }
0x6d: {  	_ =	shalt  }
0x6e: {  	_ =	shalt  }
0x6f: {  	_ =	shalt  }
0x70: {  	_ =	shalt  }
0x71: {  	_ =	shalt  }
0x72: {  	_ =	shalt  }
0x73: {  	_ =	shalt  }
0x74: {  	_ =	shalt  }
0x75: {  	_ =	shalt  }
0x76: {  	_ =	shalt  }
0x77: {  	_ =	shalt  }
0x78: {  	_ =	shalt  }
0x79: {  	_ =	shalt  }
0x7a: {  	_ =	shalt  }
0x7b: {  	_ =	shalt  }
0x7c: {  	_ =	shalt  }
0x7d: {  	_ =	shalt  }
0x7e: {  	_ =	shalt  }
0x7f: {  	_ =	shalt  }
0x80: {  	_ =	shalt  }
0x81: {  	_ =	shalt  }
0x82: {  	_ =	shalt  }
0x83: {  	_ =	shalt  }
0x84: {  	_ =	shalt  }
0x85: {  	_ =	shalt  }
0x86: {  	_ =	shalt  }
0x87: {  	_ =	shalt  }
.Lfunc_end0:
.L_simem_size_0:
called_computation_lowered:
.L_overlay_start_0:
0x88: {  	s2 =	sld [smem:$0x3FD9]  }
0x89: {  	s3 =	sld [smem:$0x3FFE];
	_ =	sdelay $0x1  }
0x8a: {  	s1 =	srdreg.scid  }
0x8b: {  	s0 =	sand.u32 $0x1, s1  }
0x8c: {  	s17 =	sshll.u32 s0, $0xA;
	s2 =	sadd.s32 s3, s2  }
0x8d: {  	s2 =	sadd.s32 s2, s17  }
0x8e: {  	[smem:$0x3FC6] =	sst s2  }
0x8f: {  	_ = 	snop  }
0x90: {  	s18 =	sld [smem:$0x3FC9]  }
0x91: {  	s4 =	sld [smem:$0x3FD0];
	(tm) =	ssettm $0x1  }
0x92: {  	s19 =	sld [smem:$0x3FFB];
	_ =	sdelay $0x3  }
0x93: {  	_ =	strace s19  }
0x94: {  	s2 =	sld [smem:$0x3FFC];
	_ =	sdelay $0x3  }
0x95: {  	_ =	strace s2  }
0x96: {  	s2 =	sld [smem:$0x3FFD];
	_ =	sdelay $0x3  }
0x97: {  	_ =	strace s2  }
0x98: {  	_ =	strace $0x8FFFFFFF  }
0x99: {  	s20 =	sld [smem:$0x3FDB];
	_ =	sdelay $0x1  }
0x9a: {  	s5 =	simm.s32 $_scs_section_size  }
0x9b: {  	s6 =	simm.s32 $_size__tile_overlayer_lowered;
	s7 =	simm.s32 $_tile_overlayer_lowered  }
0x9c: {  	s8 =	simm.s32 $0x1BFF;
	s21 =	sshll.u32 s7, $0x1;
	s5 =	sadd.s32 s5, s20  }
0x9d: {  	s22 =	simm.s32 $0x0;
	s6 =	sshll.u32 s6, $0x1;
	s7 =	sadd.s32 s21, s5  }
0x9e: {  	[timem:s22], [sflag:s8] =	dma.local [hbm:s7], s6  }
0x9f: {  	_ =	swait.ge [sflag:s8], s6  }
0xa0: {  	s6 =	ssub.s32 $0x0, s6;
	[sflag:s8] =	ssyncset.done $0x0  }
0xa1: {  	[sflag:s8] =	ssyncadd.s32 s6;
	_ =	sdelay $0x1  }
0xa2: {  	s23 =	simm.s32 $0x1B8B  }
0xa3: {  	_ =	swait.ge [sflag:s23], $0x1  }
0xa4: {  	[sflag:s23] =	ssyncset.done $0x0  }
0xa5: {  	[sflag:s23] =	ssyncadd.s32 $0xFFFFFFFF  }
0xa6: {  	s6 =	sld [smem:$0x0]  }
0xa7: {  	s7 =	sand.u32 $0xFFFFFFFE, s1  }
0xa8: {  	p0 =	sne.s32 s1, s7  }
0xa9: {  	s7 =	sshll.u32 @p0 s7, $0xE  }
0xaa: {  	s7 =	sadd.s32 @p0 $0x11B8D, s7;
	s8 =	sshll.u32 @p0 s6, $0x11  }
0xab: {  	s7 =	sor.u32 @p0 s8, s7  }
0xac: {  	[sflag:s7] =	ssyncadd.remote.s32 @p0 $0x1;
	_ =	sdelay $0x1  }
0xad: {  	s7 =	simm.s32 @p0 $0x1B8D  }
0xae: {  	_ =	swait.eq @p0 [sflag:s7], $0x1  }
0xaf: {  	[sflag:s7] =	ssyncadd.s32 @p0 $0xFFFFFFFF  }
0xb0: {  	s8 =	sshll.u32 @!p0 s1, $0xE  }
0xb1: {  	s8 =	sor.u32 @!p0 $0x4000, s8;
	s7 =	simm.s32 @!p0 $0x1B8D  }
0xb2: {  	s6 =	sshll.u32 @!p0 s6, $0x11;
	s8 =	sadd.s32 @!p0 $0x11B8D, s8;
	_ =	swait.eq @!p0 [sflag:s7], $0x1  }
0xb3: {  	s6 =	sor.u32 @!p0 s6, s8;
	[sflag:s7] =	ssyncadd.s32 @!p0 $0xFFFFFFFF  }
0xb4: {  	s25 =	simm.s32 $0x1B8E;
	s24 =	sld [smem:$0x3FFE];
	[sflag:s6] =	ssyncadd.remote.s32 @!p0 $0x1  }
0xb5: {  	s26 =	simm.s32 $execute0_lowered;
	[smem:$0x3FD2] =	sst s25  }
0xb6: {  	s7 =	sshll.u32 s26, $0x1;
	_ =	strace $0x80000049;
	[dreg:$0x1] =	wrdreg $0xFFFFFFFF  }
0xb7: {  	s28 =	simm.s32 $_size_execute0_lowered;
	s5 =	sadd.s32 s5, s7;
	[dreg:$0x0] =	wrdreg $0x0  }
0xb8: {  	s7 =	sshll.u32 s28, $0x1;
	[dreg:$0x2] =	wrdreg s5  }
0xb9: {  	[dreg:$0x3] =	wrdreg s7  }
0xba: {  	[dreg:$0x4] =	wrdreg $0xC0  }
0xbb: {  	_ =	task [dreg:s22], $0x5FFFF  }
0xbc: {  	[dreg:$0x1] =	wrdreg $0xFFFFFFFF  }
0xbd: {  	[dreg:$0x0] =	wrdreg $0x60  }
0xbe: {  	[dreg:$0x2] =	wrdreg s18  }
0xbf: {  	[dreg:$0x3] =	wrdreg s4  }
0xc0: {  	[dreg:$0x4] =	wrdreg s24  }
0xc1: {  	[dreg:$0x5] =	wrdreg $0x90000  }
0xc2: {  	[dreg:$0x6] =	wrdreg $0x9  }
0xc3: {  	_ =	task.clear_ibuf [dreg:s22], $0x7FFFF;
	_ =	strace $0x90000049  }
0xc4: {  	s29 =	simm.s32 $0x9;
	_ =	strace $0x8000004B  }
0xc5: {  	_ =	swait.ge [sflag:s29], $0x1  }
0xc6: {  	[sflag:s29] =	ssyncadd.s32 $0xFFFFFFFF  }
0xc7: {  	_ =	strace $0x9000004B  }
0xc8: {  	_ =	sfence  }
0xc9: {  	s30 =	sld [smem:$0x0];
	_ =	sdelay $0x2  }
0xca: {  	s31 =	sshll.u32 s1, $0xD;
	s1 =	sshrl.u32 s1, $0x2  }
0xcb: {  	s4 =	sand.u32 $0x4000, s31;
	s1 =	sadd.s32 s1, s30  }
0xcc: {  	s0 =	sor.u32 s4, s0;
	s1 =	sshll.u32 s1, $0x11  }
0xcd: {  	s0 =	sor.u32 s1, s0  }
0xce: {  	s0 =	sadd.s32 $0x8F2B, s0  }
0xcf: {  	[sflag:s0] =	ssyncadd.remote.s32 $0x1  }
0xd0: {  	_ =	sfence.sel $0xFFFF  }
0xd1: {  	[dreg:$0x0] =	wrdreg $0xFFFFFFFF;
	(pc) =	sbr.abs _section_cstart, $3  }
0xd2: {  	[dreg:$0x1] =	wrdreg $0xFFFFFFFF  }
0xd3: {  	_ =	task.clear_ibuf [dreg:s22], $0x2FFFF;
	_ =	strace $0x9FFFFFFF  }
0xd4: {  	(tm) =	ssettm $0x7FFFFFFF  }
0xd5: {  	_ =	shalt  }
tec
execute0_lowered:
.L_overlay_start_1:
0x0: {  	(tag) =	ssettag $0x1  }
0x1: {  	s10 =	rddreg [dreg:$0x0]  }
0x2: {  	s4 =	rddreg [dreg:$0x1];
	s0 =	stileid.u32  }
0x3: {  	s1 =	srdreg.scid;
	s5 =	rddreg [dreg:$0x2]  }
0x4: {  	s2 =	rddreg [dreg:$0x3];
	s3 =	simm.s32 $0x0;
	s16 =	simm.s32 $0x1  }
0x5: {  	s17 =	simm.s32 $0x4000;
	s18 =	simm.s32 $0x2;
	s6 =	smul.u32 $0x14000, s0  }
0x6: {  	s19 =	simm.s32 $0x50;
	s20 =	simm.s32 $0x3D00;
	s12 =	smul.u32 $0x50000, s0  }
0x7: {  	s7 =	sand.u32 $0x1, s1;
	s1 =	rddreg [dreg:$0x4];
	s31 =	smul.u32 $0x27100, s0  }
0x8: {  	[smem:$0x7FF] =	sst s3;
	s26 =	sshll.u32 s0, $0x6;
	s8 =	smul.u32 $0x140000, s7  }
0x9: {  	_ =	strace $0x8000004A;
	s23 =	ssub.s32 $0x2, s7;
	s24 =	sshll.u32 s7, $0x4  }
0xa: {  	s29 =	smul.u32 $0x271000, s7;
	s7 =	sor.u32 $0x1C03, s26;
	s9 =	sshrl.u32 s6, $0x3  }
0xb: {  	s11 =	sshrl.u32 s23, $0x1;
	s12 =	sshrl.u32 s12, $0x2;
	s6 =	sadd.s32 s6, s8  }
0xc: {  	s21 =	sadd.s32 s9, s5;
	s11 =	ssub.s32 s23, s11;
	s6 =	sshrl.u32 s6, $0x3  }
0xd: {  	s15 =	sadd.s32 s12, s2;
	s22 =	sadd.s32 s6, s5;
	s6 =	sor.u32 s0, s24  }
0xe: {  	s23 =	simm.s32 $0x0;
	s25 =	sshll.u32 s6, $0xB;
	s13 =	smul.u32 $0x27100, s6  }
0xf: {  	s14 =	smul.u32 $0x138800, s6;
	s6 =	sadd.s32 $0xB000, s21;
	s9 =	sadd.s32 $0x33000, s22  }
0x10: {  	s21 =	simm.s32 $0x3D80;
	s22 =	simm.s32 $0x3E00;
	s4 =	sadd.s32 s4, s25  }
0x11: {  	s5 =	sadd.s32 s10, s13;
	s28 =	sshrl.u32 s14, $0x3;
	s13 =	sadd.s32 s29, s10  }
0x12: {  	s14 =	sshrl.u32 s15, $0x3;
	s15 =	simm.s32 $0x3;
	s30 =	sadd.s32 s10, s28  }
0x13: {  	s10 =	smax.u32 s11, $0x1;
	s11 =	sadd.s32 $0x26C00, s5;
	s12 =	sadd.s32 s31, s13  }
0x14: {  	s13 =	simm.s32 $0x6800;
	s8 =	sadd.s32 $0x500, s30;
	s12 =	sadd.s32 $0xF00, s12  }
.LBB2_1:
0x15: {  	[tilespmem:s3], [sflag:$0x1] =	stream.linear.gather [hbm4b:s4+s3], $0x3E80, $0x38;
	[tilespmem:$0x1D000] =	vst v63  }
0x16: {  	_ = 	snop  }
0x17: {  	[tilespmem:s13], [sflag:$0x2] =	stream.linear.gather [hbm4b:s5+s3], $0x2800, $0x38;
	[tilespmem:$0x1D000] =	vst v63  }
0x18: {  	[spmem:s14], [sflag:s7] =	dma.local [hbm:s6], $0x2800  }
0x19: {  	_ =	swait.ge [sflag:s15], $0x2800  }
0x1a: {  	[sflag:s15] =	ssyncset.done $0x0  }
0x1b: {  	[sflag:s15] =	ssyncadd.s32 $0xFFFFD800  }
0x1c: {  	_ =	swait.ge [sflag:s16], $0x3E80  }
0x1d: {  	[sflag:s16] =	ssyncset.done $0x0  }
0x1e: {  	[sflag:s16] =	ssyncadd.s32 $0xFFFFC180  }
0x1f: {  	[bflag:$0x0] =	sbarrier.arrive $0xFFFF  }
0x20: {  	[tilespmem:s17], [sflag:$0x1] =	stream.linear.gather [hbm4b:s8+s3], $0x2800, $0x38;
	[tilespmem:$0x1D000] =	vst v63  }
0x21: {  	_ =	swait.ge [sflag:s18], $0x2800  }
0x22: {  	[sflag:s18] =	ssyncset.done $0x0  }
0x23: {  	s24 =	simm.s32 $0x0;
	[sflag:s18] =	ssyncadd.s32 $0xFFFFD800  }
0x24: {  	[spmem:s2] =	stream.indirect.scatter.add.f32 [tilespmem:s13], [sflag:$0x3], $0x80, s24, s19, $0xb8;
	[tilespmem:$0x1D000] =	vst v63  }
0x25: {  	_ =	swait.ge [sflag:s15], $0x2800  }
0x26: {  	[sflag:s15] =	ssyncset.done $0x0  }
0x27: {  	s30 =	sadd.s32 $0xFFFFFB00, s12;
	[sflag:s15] =	ssyncadd.s32 $0xFFFFD800  }
0x28: {  	[tilespmem:s13], [sflag:$0x2] =	stream.linear.gather [hbm4b:s30+s3], $0x2800, $0x38;
	[tilespmem:$0x1D000] =	vst v63  }
0x29: {  	_ =	swait.ge [sflag:s16], $0x2800  }
0x2a: {  	[sflag:s16] =	ssyncset.done $0x0  }
0x2b: {  	s31 =	simm.s32 $0x80;
	[sflag:s16] =	ssyncadd.s32 $0xFFFFD800  }
0x2c: {  	[spmem:s2] =	stream.indirect.scatter.add.f32 [tilespmem:s17], [sflag:$0x3], $0x80, s31, s19, $0xb8;
	[tilespmem:$0x1D000] =	vst v63  }
0x2d: {  	_ =	swait.ge [sflag:s15], $0x2800  }
0x2e: {  	s25 =	sadd.s32 $0xA00, s12;
	[sflag:s15] =	ssyncset.done $0x0  }
0x2f: {  	s26 =	smov.u32 s12;
	s24 =	simm.s32 $0x400;
	[sflag:s15] =	ssyncadd.s32 $0xFFFFD800  }
.LBB2_2:
0x30: {  	[tilespmem:s17], [sflag:$0x1] =	stream.linear.gather [hbm4b:s26+s3], $0x2800, $0x38;
	[tilespmem:$0x1D000] =	vst v63  }
0x31: {  	s28 =	smov.u32 s24;
	s26 =	smov.u32 s25  }
0x32: {  	p0 =	sne.s32 s24, $0xF000;
	s24 =	sadd.s32 $0x400, s24;
	_ =	swait.ge [sflag:s18], $0x2800  }
0x33: {  	[sflag:s18] =	ssyncset.done $0x0  }
0x34: {  	s28 =	sshra.s32 s28, $0x2;
	[sflag:s18] =	ssyncadd.s32 $0xFFFFD800  }
0x35: {  	[spmem:s2] =	stream.indirect.scatter.add.f32 [tilespmem:s13], [sflag:$0x3], $0x80, s28, s19, $0xb8;
	[tilespmem:$0x1D000] =	vst v63  }
0x36: {  	_ =	swait.ge [sflag:s15], $0x2800  }
0x37: {  	[sflag:s15] =	ssyncset.done $0x0  }
0x38: {  	s29 =	sadd.s32 $0xFFFFFB00, s25;
	[sflag:s15] =	ssyncadd.s32 $0xFFFFD800  }
0x39: {  	[tilespmem:s13], [sflag:$0x2] =	stream.linear.gather [hbm4b:s29+s3], $0x2800, $0x38;
	[tilespmem:$0x1D000] =	vst v63  }
0x3a: {  	_ =	swait.ge [sflag:s16], $0x2800  }
0x3b: {  	[sflag:s16] =	ssyncset.done $0x0  }
.Ltmp0:
0x3c: {  	s28 =	sadd.s32 $0x80, s28;
	[sflag:s16] =	ssyncadd.s32 $0xFFFFD800;
	(pc) =	sbr.rel @p0 .LBB2_2-.Ltmp0, $4  }
0x3d: {  	[spmem:s2] =	stream.indirect.scatter.add.f32 [tilespmem:s17], [sflag:$0x3], $0x80, s28, s19, $0xb8;
	[tilespmem:$0x1D000] =	vst v63  }
0x3e: {  	_ =	swait.ge [sflag:s15], $0x2800  }
0x3f: {  	[sflag:s15] =	ssyncset.done $0x0  }
0x40: {  	s25 =	sadd.s32 $0xA00, s25;
	[sflag:s15] =	ssyncadd.s32 $0xFFFFD800  }
0x41: {  	[tilespmem:s17], [sflag:$0x1] =	stream.linear.gather [hbm4b:s26+s3], $0x2800, $0x38;
	[tilespmem:$0x1D000] =	vst v63  }
0x42: {  	_ =	swait.ge [sflag:s18], $0x2800  }
0x43: {  	[sflag:s18] =	ssyncset.done $0x0  }
0x44: {  	[sflag:s18] =	ssyncadd.s32 $0xFFFFD800  }
0x45: {  	[spmem:s2] =	stream.indirect.scatter.add.f32 [tilespmem:s13], [sflag:$0x3], $0x80, s20, s19, $0xb8;
	[tilespmem:$0x1D000] =	vst v63  }
0x46: {  	_ =	swait.ge [sflag:s15], $0x2800  }
0x47: {  	[sflag:s15] =	ssyncset.done $0x0  }
0x48: {  	[sflag:s15] =	ssyncadd.s32 $0xFFFFD800  }
0x49: {  	[tilespmem:s13], [sflag:$0x2] =	stream.linear.gather [hbm4b:s11+s3], $0x2800, $0x38;
	[tilespmem:$0x1D000] =	vst v63  }
0x4a: {  	_ =	swait.ge [sflag:s16], $0x2800  }
0x4b: {  	[sflag:s16] =	ssyncset.done $0x0  }
0x4c: {  	[sflag:s16] =	ssyncadd.s32 $0xFFFFD800  }
0x4d: {  	[spmem:s2] =	stream.indirect.scatter.add.f32 [tilespmem:s17], [sflag:$0x3], $0x80, s21, s19, $0xb8;
	[tilespmem:$0x1D000] =	vst v63  }
0x4e: {  	_ =	swait.ge [sflag:s15], $0x2800  }
0x4f: {  	[sflag:s15] =	ssyncset.done $0x0  }
0x50: {  	[sflag:s15] =	ssyncadd.s32 $0xFFFFD800  }
0x51: {  	_ =	swait.ge [sflag:s18], $0x2800  }
0x52: {  	[sflag:s18] =	ssyncset.done $0x0  }
0x53: {  	[sflag:s18] =	ssyncadd.s32 $0xFFFFD800  }
0x54: {  	[spmem:s2] =	stream.indirect.scatter.add.f32 [tilespmem:s13], [sflag:$0x3], $0x80, s22, s19, $0xb8;
	[tilespmem:$0x1D000] =	vst v63  }
0x55: {  	_ =	swait.ge [sflag:s15], $0x2800  }
0x56: {  	s23 =	sadd.s32 $0x1, s23;
	[sflag:s15] =	ssyncset.done $0x0  }
0x57: {  	p0 =	sne.s32 s23, s10;
	[sflag:s15] =	ssyncadd.s32 $0xFFFFD800  }
.Ltmp1:
0x58: {  	[bflag:$0x0] =	sbarrier.arrive $0xFFFF;
	(pc) =	sbr.rel @p0 .LBB2_1-.Ltmp1, $4  }
0x59: {  	[hbm:s9], [sflag:s7] =	dma.local [spmem:s14], $0x2800  }
0x5a: {  	_ =	swait.ge [sflag:s15], $0x2800  }
0x5b: {  	[sflag:s15] =	ssyncset.done $0x0  }
0x5c: {  	[sflag:s15] =	ssyncadd.s32 $0xFFFFD800  }
0x5d: {  	_ =	sfence.sel $0x180000  }
0x5e: {  	[bflag:$0x0] =	sbarrier.arrive $0xFFFF  }
0x5f: {  	p0 =	sne.s32 s0, $0x0;
	_ =	strace $0x9000004A  }
0x60: {  	s0 =	sadd.s32 @!p0 $0x100000, s1;
	[bflag:$0x2] =	sbarrier.arrive $0xFFFF  }
0x61: {  	[sflag:s0] =	ssyncadd.tile.s32 @!p0 $0x1;
	_ =	shalt  }
.Lfunc_end2:
_tile_overlayer_lowered:
.L_overlay_start_2:
0x62: {  	(tag) =	ssettag $0x2  }
0x63: {  	s0 =	rddreg [dreg:$0x0];
	s2 =	stileid.u32  }
0x64: {  	s1 =	rddreg [dreg:$0x1];
	p0 =	sne.s32 s2, $0x0  }
0x65: {  	s3 =	rddreg [dreg:$0x2];
	[bflag:$0x3] =	sbarrier.arrive $0xFFFF;
	s2 =	simm.s32 @!p0 $0x1C03  }
0x66: {  	[timem:s3], [sflag:s2] =	dma.local @!p0 [hbm:s0], s1  }
0x67: {  	s0 =	simm.s32 @!p0 $0x3  }
0x68: {  	_ =	swait.ge @!p0 [sflag:s0], s1  }
0x69: {  	s1 =	ssub.s32 @!p0 $0x0, s1;
	[sflag:s0] =	ssyncset.done @!p0 $0x0  }
0x6a: {  	[sflag:s0] =	ssyncadd.s32 @!p0 s1  }
0x6b: {  	[bflag:$0x3] =	sbarrier.arrive $0xFFFF  }
0x6c: {  	_ =	shalt  }

// kernel: kernel.8.cloned.1.call-start
scs
__scs_entry_jumppad:
0x0: {  	(pc) =	sbr.rel $0x88, $3  }
0x1: {  	(tag) =	ssettag $0x0;
	lr =	simm.s32 $0x1  }
0x2: {  	[smem:$0x3F9F] =	sst lr;
	_ =	strace $0xD0000000  }
0x3: {  	_ = 	snop  }
0x4: {  	_ = 	snop  }
0x5: {  	_ = 	snop  }
0x6: {  	_ = 	snop  }
0x7: {  	_ = 	snop  }
__scs_overlays_trampoline_lowered:
0x8: {  	[smem:$0x3FAE] =	sst s0  }
0x9: {  	[smem:$0x3FAF] =	sst s1  }
0xa: {  	[smem:$0x3FB0] =	sst s2  }
0xb: {  	[smem:$0x3FB1] =	sst s3  }
0xc: {  	[smem:$0x3FB2] =	sst s4  }
0xd: {  	[smem:$0x3FB3] =	sst s5  }
0xe: {  	[smem:$0x3FB4] =	sst s6  }
0xf: {  	[smem:$0x3FB5] =	sst s7  }
0x10: {  	[smem:$0x3FB6] =	sst s8  }
0x11: {  	[smem:$0x3FB7] =	sst s9;
	s0 =	simm.s32 @!p0 $0x0  }
0x12: {  	s1 =	sld [smem:$0x3F9D];
	s0 =	simm.s32 @p0 $0x1  }
0x13: {  	[smem:$0x3FB8] =	sst s0;
	s0 =	simm.s32 @!p1 $0x0  }
0x14: {  	s2 =	sld [smem:$0x3F9C];
	s0 =	simm.s32 @p1 $0x1  }
0x15: {  	[smem:$0x3FB9] =	sst s0;
	s0 =	simm.s32 @!p2 $0x0  }
0x16: {  	s3 =	sld [smem:$0x3FDB];
	s0 =	simm.s32 @p2 $0x1  }
0x17: {  	s4 =	simm.s32 $0x1BF5;
	[smem:$0x3FBB] =	sst s0  }
0x18: {  	s0 =	sld [smem:$0x3F9E];
	_ =	swait.ge [sflag:s4], $0x0  }
0x19: {  	s7 =	sld [smem:$0x3F9F]  }
0x1a: {  	s8 =	sadd.s32 $0xFFFFE003, lr  }
0x1b: {  	s9 =	sadd.s32 $0xFFFFFEF7, lr;
	s5 =	simm.s32 $0xFFFFFFFF;
	p2 =	slt.u32 s8, $0xFFFFF086  }
0x1c: {  	p1 =	slt.u32 s9, $0xF7A;
	s5 =	simm.s32 @!p2 $0x0  }
0x1d: {  	s5 =	simm.s32 @p1 $0x1;
	p0 =	seq.s32 s7, s2  }
0x1e: {  	s7 =	smul.u32 @!p0 $0xF7A, s2;
	p2 =	seq.s32 @!p0 s5, $0x0  }
0x1f: {  	s9 =	smul.u32 $0xF7A, s1;
	s8 =	simm.s32 @!p0 $0x1BF5;
	p2 =	por !p2, p0  }
0x20: {  	[sflag:s8] =	ssyncset.s32 @!p0 $0xFFFFF086;
	s6 =	sadd.s32 @!p0 s3, s7;
	s7 =	simm.s32 @!p0 $0x108  }
0x21: {  	s3 =	sadd.s32 s3, s9;
	s6 =	sadd.s32 @!p0 $0x88, s6;
	s7 =	simm.s32 @p2 $0x1082  }
0x22: {  	[simem:s7], [sflag:s8] =	dma.local @!p0 [hbm:s6], $0xF7A  }
0x23: {  	s9 =	sor.u32 $0xD0000000, s2;
	s6 =	simm.s32 $0x108;
	_ =	swait.ge @!p0 [sflag:s8], $0x0  }
0x24: {  	s3 =	sadd.s32 $0x88, s3;
	s6 =	simm.s32 @!p1 $0x1082;
	[sflag:s4] =	ssyncset.s32 $0xFFFFF086  }
0x25: {  	[simem:s6], [sflag:s4] =	dma.local [hbm:s3], $0xF7A  }
0x26: {  	[smem:$0x3F9F] =	sst s1;
	(tag) =	ssettag s2;
	_ =	strace s9  }
0x27: {  	s1 =	sld [smem:$0x3FAF]  }
0x28: {  	s2 =	sld [smem:$0x3FB0]  }
0x29: {  	s4 =	sld [smem:$0x3FB2]  }
0x2a: {  	p0 =	seq.s32 s5, $0x0;
	s5 =	sld [smem:$0x3FB3]  }
0x2b: {  	s6 =	sld [smem:$0x3FB4]  }
0x2c: {  	s7 =	sld [smem:$0x3FB5]  }
0x2d: {  	s3 =	simm.s32 $0x108;
	s8 =	sld [smem:$0x3FB6]  }
0x2e: {  	s3 =	simm.s32 @!p0 $0x1082;
	s9 =	sld [smem:$0x3FB7]  }
0x2f: {  	lr =	sadd.s32 s0, s3;
	s0 =	sld [smem:$0x3FAE]  }
0x30: {  	s3 =	sld [smem:$0x3FB1]  }
0x31: {  	[smem:$0x3FBA] =	sst s10  }
0x32: {  	s10 =	sld [smem:$0x3FB8];
	_ =	sdelay $0x3  }
0x33: {  	p0 =	seq.s32 s10, $0x1;
	s10 =	sld [smem:$0x3FBA];
	_ =	sdelay $0x3  }
0x34: {  	[smem:$0x3FBA] =	sst s10  }
0x35: {  	s10 =	sld [smem:$0x3FB9];
	_ =	sdelay $0x3  }
0x36: {  	p1 =	seq.s32 s10, $0x1;
	s10 =	sld [smem:$0x3FBA];
	_ =	sdelay $0x3  }
0x37: {  	[smem:$0x3FBA] =	sst s10  }
0x38: {  	s10 =	sld [smem:$0x3FBB]  }
0x39: {  	_ = 	snop;
	(pc) =	sbr.ind lr, $3  }
0x3a: {  	_ = 	snop  }
0x3b: {  	_ = 	snop  }
0x3c: {  	p2 =	seq.s32 s10, $0x1;
	s10 =	sld [smem:$0x3FBA]  }
0x3d: {  	_ =	shalt  }
0x3e: {  	_ =	shalt  }
0x3f: {  	_ =	shalt  }
0x40: {  	_ =	shalt  }
0x41: {  	_ =	shalt  }
0x42: {  	_ =	shalt  }
0x43: {  	_ =	shalt  }
0x44: {  	_ =	shalt  }
0x45: {  	_ =	shalt  }
0x46: {  	_ =	shalt  }
0x47: {  	_ =	shalt  }
0x48: {  	_ =	shalt  }
0x49: {  	_ =	shalt  }
0x4a: {  	_ =	shalt  }
0x4b: {  	_ =	shalt  }
0x4c: {  	_ =	shalt  }
0x4d: {  	_ =	shalt  }
0x4e: {  	_ =	shalt  }
0x4f: {  	_ =	shalt  }
0x50: {  	_ =	shalt  }
0x51: {  	_ =	shalt  }
0x52: {  	_ =	shalt  }
0x53: {  	_ =	shalt  }
0x54: {  	_ =	shalt  }
0x55: {  	_ =	shalt  }
0x56: {  	_ =	shalt  }
0x57: {  	_ =	shalt  }
0x58: {  	_ =	shalt  }
0x59: {  	_ =	shalt  }
0x5a: {  	_ =	shalt  }
0x5b: {  	_ =	shalt  }
0x5c: {  	_ =	shalt  }
0x5d: {  	_ =	shalt  }
0x5e: {  	_ =	shalt  }
0x5f: {  	_ =	shalt  }
0x60: {  	_ =	shalt  }
0x61: {  	_ =	shalt  }
0x62: {  	_ =	shalt  }
0x63: {  	_ =	shalt  }
0x64: {  	_ =	shalt  }
0x65: {  	_ =	shalt  }
0x66: {  	_ =	shalt  }
0x67: {  	_ =	shalt  }
0x68: {  	_ =	shalt  }
0x69: {  	_ =	shalt  }
0x6a: {  	_ =	shalt  }
0x6b: {  	_ =	shalt  }
0x6c: {  	_ =	shalt  }
0x6d: {  	_ =	shalt  }
0x6e: {  	_ =	shalt  }
0x6f: {  	_ =	shalt  }
0x70: {  	_ =	shalt  }
0x71: {  	_ =	shalt  }
0x72: {  	_ =	shalt  }
0x73: {  	_ =	shalt  }
0x74: {  	_ =	shalt  }
0x75: {  	_ =	shalt  }
0x76: {  	_ =	shalt  }
0x77: {  	_ =	shalt  }
0x78: {  	_ =	shalt  }
0x79: {  	_ =	shalt  }
0x7a: {  	_ =	shalt  }
0x7b: {  	_ =	shalt  }
0x7c: {  	_ =	shalt  }
0x7d: {  	_ =	shalt  }
0x7e: {  	_ =	shalt  }
0x7f: {  	_ =	shalt  }
0x80: {  	_ =	shalt  }
0x81: {  	_ =	shalt  }
0x82: {  	_ =	shalt  }
0x83: {  	_ =	shalt  }
0x84: {  	_ =	shalt  }
0x85: {  	_ =	shalt  }
0x86: {  	_ =	shalt  }
0x87: {  	_ =	shalt  }
.Lfunc_end0:
.L_simem_size_0:
called_computation.1_lowered:
.L_overlay_start_0:
0x88: {  	s2 =	sld [smem:$0x3FD9]  }
0x89: {  	s3 =	sld [smem:$0x3FFE];
	_ =	sdelay $0x1  }
0x8a: {  	s1 =	srdreg.scid  }
0x8b: {  	s0 =	sand.u32 $0x1, s1  }
0x8c: {  	s17 =	sshll.u32 s0, $0xA;
	s2 =	sadd.s32 s3, s2  }
0x8d: {  	s2 =	sadd.s32 s2, s17  }
0x8e: {  	[smem:$0x3FC6] =	sst s2  }
0x8f: {  	_ = 	snop  }
0x90: {  	s2 =	sld [smem:$0x3FD0];
	(tm) =	ssettm $0x1  }
0x91: {  	s18 =	sld [smem:$0x3FFB];
	_ =	sdelay $0x3  }
0x92: {  	_ =	strace s18  }
0x93: {  	s3 =	sld [smem:$0x3FFC];
	_ =	sdelay $0x3  }
0x94: {  	_ =	strace s3  }
0x95: {  	s3 =	sld [smem:$0x3FFD];
	_ =	sdelay $0x3  }
0x96: {  	_ =	strace s3  }
0x97: {  	_ =	strace $0x8FFFFFFF  }
0x98: {  	s19 =	sld [smem:$0x3FDB];
	_ =	sdelay $0x1  }
0x99: {  	s4 =	simm.s32 $_scs_section_size  }
0x9a: {  	s5 =	simm.s32 $_size__tile_overlayer_lowered;
	s6 =	simm.s32 $_tile_overlayer_lowered  }
0x9b: {  	s22 =	simm.s32 $0x1BFF;
	s21 =	sshll.u32 s6, $0x1;
	s3 =	sadd.s32 s4, s19  }
0x9c: {  	s7 =	simm.s32 $0x0;
	s20 =	sshll.u32 s5, $0x1;
	s5 =	sadd.s32 s21, s3  }
0x9d: {  	[timem:s7], [sflag:s22] =	dma.local [hbm:s5], s20  }
0x9e: {  	_ =	swait.ge [sflag:s22], s20  }
0x9f: {  	s4 =	ssub.s32 $0x0, s20;
	[sflag:s22] =	ssyncset.done $0x0  }
0xa0: {  	[sflag:s22] =	ssyncadd.s32 s4;
	_ =	sdelay $0x1  }
0xa1: {  	s23 =	simm.s32 $0x1B8B  }
0xa2: {  	_ =	swait.ge [sflag:s23], $0x1  }
0xa3: {  	[sflag:s23] =	ssyncset.done $0x0  }
0xa4: {  	s25 =	simm.s32 $0x1B8E;
	s24 =	sld [smem:$0x3FFE];
	[sflag:s23] =	ssyncadd.s32 $0xFFFFFFFF  }
0xa5: {  	s26 =	simm.s32 $execute0_lowered;
	[smem:$0x3FD2] =	sst s25  }
0xa6: {  	s5 =	sshll.u32 s26, $0x1;
	_ =	strace $0x80000046;
	[dreg:$0x1] =	wrdreg $0xFFFFFFFF  }
0xa7: {  	s28 =	simm.s32 $_size_execute0_lowered;
	s3 =	sadd.s32 s3, s5;
	[dreg:$0x0] =	wrdreg $0x0  }
0xa8: {  	s5 =	sshll.u32 s28, $0x1;
	[dreg:$0x2] =	wrdreg s3  }
0xa9: {  	[dreg:$0x3] =	wrdreg s5  }
0xaa: {  	[dreg:$0x4] =	wrdreg $0xC0  }
0xab: {  	_ =	task [dreg:s7], $0x5FFFF  }
0xac: {  	[dreg:$0x1] =	wrdreg $0xFFFFFFFF  }
0xad: {  	[dreg:$0x0] =	wrdreg $0x60  }
0xae: {  	[dreg:$0x2] =	wrdreg s2  }
0xaf: {  	[dreg:$0x3] =	wrdreg s24  }
0xb0: {  	[dreg:$0x4] =	wrdreg $0xA  }
0xb1: {  	_ =	task.clear_ibuf [dreg:s7], $0x5FFFF;
	_ =	strace $0x90000046  }
0xb2: {  	s29 =	simm.s32 $0xA;
	_ =	strace $0x80000048  }
0xb3: {  	_ =	swait.ge [sflag:s29], $0x1  }
0xb4: {  	[sflag:s29] =	ssyncadd.s32 $0xFFFFFFFF  }
0xb5: {  	_ =	strace $0x90000048  }
0xb6: {  	_ =	sfence  }
0xb7: {  	s30 =	sld [smem:$0x0];
	_ =	sdelay $0x2  }
0xb8: {  	s31 =	sshll.u32 s1, $0xD;
	s1 =	sshrl.u32 s1, $0x2  }
0xb9: {  	s3 =	sand.u32 $0x4000, s31;
	s1 =	sadd.s32 s1, s30  }
0xba: {  	s0 =	sor.u32 s3, s0;
	s1 =	sshll.u32 s1, $0x11  }
0xbb: {  	s0 =	sor.u32 s1, s0  }
0xbc: {  	s0 =	sadd.s32 $0x8F2B, s0  }
0xbd: {  	[sflag:s0] =	ssyncadd.remote.s32 $0x1  }
0xbe: {  	_ =	sfence.sel $0xFFFF  }
0xbf: {  	[dreg:$0x0] =	wrdreg $0xFFFFFFFF;
	(pc) =	sbr.abs _section_cstart, $3  }
0xc0: {  	[dreg:$0x1] =	wrdreg $0xFFFFFFFF  }
0xc1: {  	_ =	task.clear_ibuf [dreg:s7], $0x2FFFF;
	_ =	strace $0x9FFFFFFF  }
0xc2: {  	(tm) =	ssettm $0x7FFFFFFF  }
0xc3: {  	_ =	shalt  }
tec
execute0_lowered:
.L_overlay_start_1:
0x0: {  	(tag) =	ssettag $0x1  }
0x1: {  	s0 =	srdreg.scid  }
0x2: {  	s4 =	sand.u32 $0x1, s0  }
0x3: {  	s5 =	rddreg [dreg:$0x0];
	s0 =	stileid.u32;
	s1 =	sshll.u32 s4, $0x4  }
0x4: {  	s6 =	rddreg [dreg:$0x1];
	s7 =	sor.u32 s0, s1  }
0x5: {  	s2 =	simm.s32 $0x0;
	s9 =	simm.s32 $0x80;
	s3 =	sshrl.u32 s7, $0x3  }
0x6: {  	s10 =	simm.s32 $0x400;
	s8 =	sshll.u32 s0, $0x7;
	s3 =	smul.u32 $0x14000, s3  }
0x7: {  	s11 =	simm.s32 $0x0;
	[smem:$0x7FF] =	sst s2;
	s8 =	sand.u32 $0x380, s8  }
0x8: {  	s4 =	ssub.s32 $0x2, s4;
	s1 =	rddreg [dreg:$0x2];
	s8 =	sor.u32 s8, s3  }
0x9: {  	_ =	strace $0x80000047;
	s31 =	sshrl.u32 s4, $0x1;
	s8 =	sshrl.u32 s8, $0x3  }
0xa: {  	s7 =	sshll.u32 s7, $0xB;
	s3 =	sadd.s32 $0xA00, s6;
	s6 =	sadd.s32 s8, s6  }
0xb: {  	s8 =	ssub.s32 s4, s31;
	s4 =	sadd.s32 s5, s7;
	s7 =	simm.s32 $0x4000  }
0xc: {  	s5 =	sadd.s32 $0x1000, s6;
	s6 =	smax.u32 s8, $0x1;
	s8 =	simm.s32 $0x1  }
.LBB2_1:
0xd: {  	[tilespmem:s7], [sflag:$0x1] =	stream.linear.gather [hbm4b:s3+s2], $0x2800, $0x38;
	[tilespmem:$0x6800] =	vst v63  }
0xe: {  	s12 =	smul.u32 $0xCCCD, s2  }
0xf: {  	_ =	swait.ge [sflag:s8], $0x2800  }
0x10: {  	[sflag:s8] =	ssyncset.done $0x0;
	s12 =	sshrl.u32 s12, $0x12  }
0x11: {  	[sflag:s8] =	ssyncadd.s32 $0xFFFFD800;
	s13 =	smul.u32 $0x5, s12  }
0x12: {  	[tilespmem:s2], [sflag:$0x1] =	stream.linear.gather [hbm4b:s4+s2], $0x3E80, $0x38;
	[tilespmem:$0x6800] =	vst v63  }
0x13: {  	s13 =	ssub.s32 $0x0, s13  }
0x14: {  	_ =	swait.ge [sflag:s8], $0x3E80;
	s13 =	sand.u32 $0xFFFF, s13  }
0x15: {  	s12 =	sshll.u32 s12, $0x7;
	[sflag:s8] =	ssyncset.done $0x0;
	s13 =	sshll.u32 s13, $0x4  }
0x16: {  	[sflag:s8] =	ssyncadd.s32 $0xFFFFC180;
	s12 =	sor.u32 s13, s12  }
0x17: {  	v0 =	vld [tilespmem:s12+$0x0];
	_ =	sdelay $0x4  }
0x18: {  	(xrf1) =	vunique.msk.u32 $0xffff, v0;
	_ =	sdelay $0xa  }
0x19: {  	s12 =	simm.s32 $0x1  }
0x1a: {  	s13 =	simm.s32 $0x2;
	s14 =	smul.u32 $0xCCCD, s12  }
.LBB2_2:
0x1b: {  	p0 =	sne.s32 s13, $0x270  }
0x1c: {  	s14 =	sshrl.u32 s14, $0x12;
	_, v1, vm0 =	vpop (xrf1)  }
0x1d: {  	s15 =	smul.u32 $0x5, s14;
	_ =	sdelay $0x1  }
0x1e: {  	s15 =	ssub.s32 s12, s15;
	s12 =	smov.u32 s13  }
0x1f: {  	v1 =	vcvt.s32.f32 v1;
	s15 =	sand.u32 $0xFFFF, s15  }
0x20: {  	s14 =	sshll.u32 s14, $0x7;
	s15 =	sshll.u32 s15, $0x4  }
0x21: {  	s14 =	sor.u32 s15, s14;
	[tilespmem:v0+s7+$0x0] =	vst.idx.add.f32.msk vm0, v1  }
0x22: {  	v0 =	vld [tilespmem:s14+$0x0];
	_ =	sdelay $0x4  }
0x23: {  	(xrf1) =	vunique.msk.u32 $0xffff, v0;
	_ =	sdelay $0x7  }
.Ltmp0:
0x24: {  	(pc) =	sbr.rel @p0 .LBB2_2-.Ltmp0, $2  }
0x25: {  	_ =	sdelay $0x2  }
0x26: {  	s13 =	sadd.s32 $0x1, s13;
	s14 =	smul.u32 $0xCCCD, s12  }
0x27: {  	_ = 	snop  }
0x28: {  	s13 =	sshrl.u32 s14, $0x12;
	_, v1, vm0 =	vpop (xrf1)  }
0x29: {  	s14 =	smul.u32 $0x5, s13;
	_ =	sdelay $0x1  }
0x2a: {  	s12 =	ssub.s32 s12, s14  }
0x2b: {  	v1 =	vcvt.s32.f32 v1;
	s12 =	sand.u32 $0xFFFF, s12  }
0x2c: {  	s13 =	sshll.u32 s13, $0x7;
	s12 =	sshll.u32 s12, $0x4  }
0x2d: {  	s12 =	sor.u32 s12, s13;
	[tilespmem:v0+s7+$0x0] =	vst.idx.add.f32.msk vm0, v1  }
0x2e: {  	v0 =	vld [tilespmem:s12+$0x0];
	_ =	sdelay $0x4  }
0x2f: {  	(xrf1) =	vunique.msk.u32 $0xffff, v0;
	_ =	sdelay $0xd  }
0x30: {  	_, v1, vm0 =	vpop (xrf1);
	_ =	sdelay $0x3  }
0x31: {  	s11 =	sadd.s32 $0x1, s11;
	v1 =	vcvt.s32.f32 v1  }
0x32: {  	p0 =	sne.s32 s11, s6  }
.Ltmp1:
0x33: {  	[tilespmem:v0+s7+$0x0] =	vst.idx.add.f32.msk vm0, v1;
	(pc) =	sbr.rel @p0 .LBB2_1-.Ltmp1, $4  }
0x34: {  	[hbm4b:s5+s9] =	stream.strided.scatter [tilespmem:s7], [sflag:$0x1], $0x2800, s10, s9, $0x38;
	[tilespmem:$0x6800] =	vst v63  }
0x35: {  	_ =	swait.ge [sflag:s8], $0x2800  }
0x36: {  	[sflag:s8] =	ssyncset.done $0x0  }
0x37: {  	[sflag:s8] =	ssyncadd.s32 $0xFFFFD800  }
0x38: {  	_ =	sfence.sel $0x180000  }
0x39: {  	[bflag:$0x0] =	sbarrier.arrive $0xFFFF  }
0x3a: {  	p0 =	sne.s32 s0, $0x0;
	_ =	strace $0x90000047  }
0x3b: {  	s0 =	sadd.s32 @!p0 $0x100000, s1;
	[bflag:$0x2] =	sbarrier.arrive $0xFFFF  }
0x3c: {  	[sflag:s0] =	ssyncadd.tile.s32 @!p0 $0x1;
	_ =	shalt  }
.Lfunc_end2:
_tile_overlayer_lowered:
.L_overlay_start_2:
0x3d: {  	(tag) =	ssettag $0x2  }
0x3e: {  	s0 =	rddreg [dreg:$0x0];
	s2 =	stileid.u32  }
0x3f: {  	s1 =	rddreg [dreg:$0x1];
	p0 =	sne.s32 s2, $0x0  }
0x40: {  	s3 =	rddreg [dreg:$0x2];
	[bflag:$0x3] =	sbarrier.arrive $0xFFFF;
	s2 =	simm.s32 @!p0 $0x1C01  }
0x41: {  	[timem:s3], [sflag:s2] =	dma.local @!p0 [hbm:s0], s1  }
0x42: {  	s0 =	simm.s32 @!p0 $0x1  }
0x43: {  	_ =	swait.ge @!p0 [sflag:s0], s1  }
0x44: {  	s1 =	ssub.s32 @!p0 $0x0, s1;
	[sflag:s0] =	ssyncset.done @!p0 $0x0  }
0x45: {  	[sflag:s0] =	ssyncadd.s32 @!p0 s1  }
0x46: {  	[bflag:$0x3] =	sbarrier.arrive $0xFFFF  }
0x47: {  	_ =	shalt  }

</sc_bundles>
